<compile_context>
chip_gen: v7x
topology: tpu7x:2x2x1
jax: 0.10.2.dev20260603
libtpu: 0.0.44.dev20260713+nightly
codegen_flags: <defaults>
</compile_context>

<pallas_src>
import functools

import jax
import jax.numpy as jnp
from jax import lax
from jax.experimental import pallas as pl
from jax.experimental.pallas import tpu as pltpu
from jax.experimental.pallas import tpu_sc as plsc

_BALANCE_COEF = 0.01
_BT = 128
_ALIGN = 8
_NC, _NS = 2, 16
_BTR = 512
_NF = 2


def _router_body(x_ref, rw_ref, rb_ref, pos_ref, cnt_ref, offs_ref,
                 loss_ref):
    x = x_ref[...]
    logits = jnp.dot(x, rw_ref[...], preferred_element_type=jnp.float32)
    logits = logits + rb_ref[...]
    t, e = logits.shape
    m = jnp.max(logits, axis=-1, keepdims=True)
    ex = jnp.exp(logits - m)
    s = jnp.sum(ex, axis=-1, keepdims=True)
    probs = ex / s
    mx = jnp.max(probs, axis=-1, keepdims=True)
    ei = lax.broadcasted_iota(jnp.int32, probs.shape, 1)
    idx = jnp.min(jnp.where(probs == mx, ei, e), axis=-1, keepdims=True)
    onehot = (ei == idx).astype(jnp.float32)

    ri = lax.broadcasted_iota(jnp.int32, (_BTR, _BTR), 0)
    ci = lax.broadcasted_iota(jnp.int32, (_BTR, _BTR), 1)
    lt = (ci <= ri).astype(jnp.float32)
    prefix = jnp.zeros((1, e), jnp.float32)
    parts = []
    for b in range(t // _BTR):
        blk = onehot[b * _BTR:(b + 1) * _BTR]
        rin = jnp.dot(lt, blk, preferred_element_type=jnp.float32)
        parts.append(prefix + rin - 1.0)
        prefix = prefix + jnp.sum(blk, axis=0, keepdims=True)
    rank = jnp.concatenate(parts, axis=0)

    cnts = prefix
    cnt_ref[...] = cnts.astype(jnp.int32)
    cnts_pad = (((cnts.astype(jnp.int32) + (_ALIGN - 1)) // _ALIGN)
                * _ALIGN).astype(jnp.float32)
    rei = lax.broadcasted_iota(jnp.int32, (e, e), 0)
    cei = lax.broadcasted_iota(jnp.int32, (e, e), 1)
    slt = (rei < cei).astype(jnp.float32)
    offs = jnp.dot(cnts_pad, slt, preferred_element_type=jnp.float32)
    offs_ref[...] = offs.astype(jnp.int32)
    pos = jnp.sum((rank + offs) * onehot, axis=1, keepdims=True)
    pos_ref[...] = pos.astype(jnp.int32)

    pmean = jnp.mean(probs, axis=0, keepdims=True)
    f = cnts / float(t)
    loss_ref[...] = (_BALANCE_COEF * e) * jnp.sum(f * pmean, axis=-1,
                                                  keepdims=True)


def _router(x, router_w, router_b):
    t, _ = x.shape
    e = router_w.shape[1]
    return pl.pallas_call(
        _router_body,
        out_shape=(
            jax.ShapeDtypeStruct((t, 1), jnp.int32),
            jax.ShapeDtypeStruct((1, e), jnp.int32),
            jax.ShapeDtypeStruct((1, e), jnp.int32),
            jax.ShapeDtypeStruct((1, 1), jnp.float32),
        ),
    )(x, router_w, router_b.reshape(1, e))


def _make_dispatch_x(t, tpp, h):
    nw = _NC * _NS
    rows_per = t // nw
    half = rows_per // 2
    mesh = plsc.VectorSubcoreMesh(core_axis_name="c", subcore_axis_name="s")

    @functools.partial(
        pl.kernel,
        out_type=jax.ShapeDtypeStruct((tpp, h), jnp.float32),
        mesh=mesh,
        scratch_types=[
            pltpu.VMEM((half,), jnp.int32),
            pltpu.VMEM((half,), jnp.int32),
            pltpu.VMEM((half, h), jnp.float32),
            pltpu.VMEM((half, h), jnp.float32),
            pltpu.SemaphoreType.DMA,
            pltpu.SemaphoreType.DMA,
            pltpu.SemaphoreType.DMA,
        ],
    )
    def dispatch(x_hbm, pos_hbm, xs_hbm, idx0_v, idx1_v, rows0_v, rows1_v,
                 semi, semr, sems):
        wid = lax.axis_index("s") * _NC + lax.axis_index("c")
        base = wid * rows_per
        ci0 = pltpu.async_copy(pos_hbm.at[pl.ds(base, half)], idx0_v, semi)
        ci1 = pltpu.async_copy(
            pos_hbm.at[pl.ds(base + half, half)], idx1_v, semi)
        cr0 = pltpu.async_copy(x_hbm.at[pl.ds(base, half)], rows0_v, semr)
        cr1 = pltpu.async_copy(
            x_hbm.at[pl.ds(base + half, half)], rows1_v, semr)
        ci0.wait()
        ci1.wait()
        cr0.wait()
        cs0 = pltpu.async_copy(rows0_v, xs_hbm.at[idx0_v], sems)
        cr1.wait()
        cs1 = pltpu.async_copy(rows1_v, xs_hbm.at[idx1_v], sems)
        cs0.wait()
        cs1.wait()

    return dispatch


def _make_combine(t, h):
    nw = _NC * _NS
    rows_per = t // nw
    mesh = plsc.VectorSubcoreMesh(core_axis_name="c", subcore_axis_name="s")

    @functools.partial(
        pl.kernel,
        out_type=jax.ShapeDtypeStruct((t, h), jnp.float32),
        mesh=mesh,
        scratch_types=[
            pltpu.VMEM((rows_per,), jnp.int32),
            pltpu.VMEM((rows_per, h), jnp.float32),
            pltpu.SemaphoreType.DMA,
        ],
    )
    def combine(ys_hbm, pos_hbm, out_hbm, idx_v, rows_v, sem):
        wid = lax.axis_index("s") * _NC + lax.axis_index("c")
        base = wid * rows_per
        half = rows_per // 2
        pltpu.sync_copy(pos_hbm.at[pl.ds(base, rows_per)], idx_v)
        c0 = pltpu.async_copy(
            ys_hbm.at[idx_v.at[pl.ds(0, half)]],
            rows_v.at[pl.ds(0, half)], sem)
        c1 = pltpu.async_copy(
            ys_hbm.at[idx_v.at[pl.ds(half, half)]],
            rows_v.at[pl.ds(half, half)], sem)
        c0.wait()
        pltpu.sync_copy(
            rows_v.at[pl.ds(0, half)], out_hbm.at[pl.ds(base, half)])
        c1.wait()
        pltpu.sync_copy(
            rows_v.at[pl.ds(half, half)],
            out_hbm.at[pl.ds(base + half, half)])

    return combine


def _ffn_body(offs_ref, cnts_ref, x_ref, rw_ref, rb_ref, w1_ref, b1_ref,
              w2_ref, b2_ref, out_ref):
    e = pl.program_id(0)
    fi = pl.program_id(1)
    start = offs_ref[e]
    n = cnts_ref[e]
    w1 = w1_ref[0]
    b1 = b1_ref[0]
    w2 = w2_ref[0]
    b2 = b2_ref[0]

    def chunk(i, carry):
        row = pl.multiple_of(start + i * _BT, _ALIGN)
        xb = x_ref[pl.ds(row, _BT), :]
        hmid = jax.nn.gelu(
            jnp.dot(xb, w1, preferred_element_type=jnp.float32) + b1)
        part = jnp.dot(hmid, w2, preferred_element_type=jnp.float32)
        lg = jnp.dot(xb, rw_ref[...], preferred_element_type=jnp.float32)
        lg = lg + rb_ref[...]
        mloc = jnp.max(lg, axis=-1, keepdims=True)
        g = 1.0 / jnp.sum(jnp.exp(lg - mloc), axis=-1, keepdims=True)

        @pl.when(fi == 0)
        def _():
            out_ref[pl.ds(row, _BT), :] = xb + g * (part + b2)

        @pl.when(fi != 0)
        def _():
            out_ref[pl.ds(row, _BT), :] += g * part

        return carry

    nch = (n + _BT - 1) // _BT
    lax.fori_loop(0, nch, chunk, 0)


def _ffn(offs_pad, counts, x_sorted, router_w, router_b, w1, b1, w2, b2):
    tpp, h = x_sorted.shape
    e, _, f = w1.shape
    er = router_w.shape[1]
    bf = f // _NF
    grid_spec = pltpu.PrefetchScalarGridSpec(
        num_scalar_prefetch=2,
        grid=(e, _NF),
        in_specs=[
            pl.BlockSpec((tpp, h), lambda i, j, offs, cnts: (0, 0)),
            pl.BlockSpec((h, er), lambda i, j, offs, cnts: (0, 0)),
            pl.BlockSpec((1, er), lambda i, j, offs, cnts: (0, 0)),
            pl.BlockSpec((1, h, bf), lambda i, j, offs, cnts: (i, 0, j)),
            pl.BlockSpec((1, 1, bf), lambda i, j, offs, cnts: (i, 0, j)),
            pl.BlockSpec((1, bf, h), lambda i, j, offs, cnts: (i, j, 0)),
            pl.BlockSpec((1, 1, h), lambda i, j, offs, cnts: (i, 0, 0)),
        ],
        out_specs=pl.BlockSpec((tpp, h), lambda i, j, offs, cnts: (0, 0)),
    )
    return pl.pallas_call(
        _ffn_body,
        grid_spec=grid_spec,
        out_shape=jax.ShapeDtypeStruct((tpp, h), jnp.float32),
        compiler_params=pltpu.CompilerParams(
            dimension_semantics=("arbitrary", "arbitrary"),
            vmem_limit_bytes=63 * 1024 * 1024,
        ),
    )(offs_pad, counts, x_sorted, router_w, router_b.reshape(1, er),
      w1, b1.reshape(e, 1, f), w2, b2.reshape(e, 1, h))


def kernel(hidden_states, router_w, router_b, w1, b1, w2, b2):
    bv, sv, h = hidden_states.shape
    t = bv * sv
    e = router_w.shape[1]
    x = hidden_states.reshape(t, h)

    pos2, cnts2, offs2, loss2 = _router(x, router_w, router_b)

    tp = t + _ALIGN * e
    tpp = tp + _BT

    x_sorted = _make_dispatch_x(t, tpp, h)(x, pos2[:, 0])
    out_sorted = _ffn(offs2[0], cnts2[0], x_sorted, router_w, router_b,
                      w1, b1, w2, b2)
    combined = _make_combine(t, h)(out_sorted, pos2[:, 0])

    return combined.reshape(bv, sv, h), loss2[0, 0]

# --- scband reference (transcript-rebuilt; emitter-appended) ---
"""Pipeline reference for scband-simple-mo-elayer-85143431675949 (READ-ONLY COPY).

The authoritative reference and input builder live on the scoring server;
editing this copy changes nothing except your own understanding.
"""

import jax, jax.numpy as jnp
import numpy as np

H = 768
E = 64
K = 1
F = 2048
BALANCE_COEF = 0.01
B, S = 1, 4096


def setup_inputs(seed: int = 0):
    key = jax.random.key(seed)
    k0, k1, k2, k3 = jax.random.split(key, 4)
    return {
        "hidden_states": jax.random.normal(k0, (B, S, H), dtype=jnp.float32),
        "router_w": jax.random.normal(k1, (H, E), dtype=jnp.float32) * 0.02,
        "router_b": jnp.zeros((E,), dtype=jnp.float32),
        "w1": jax.random.normal(k2, (E, H, F), dtype=jnp.float32) * 0.02,
        "b1": jnp.zeros((E, F), dtype=jnp.float32),
        "w2": jax.random.normal(k3, (E, F, H), dtype=jnp.float32) * 0.02,
        "b2": jnp.zeros((E, H), dtype=jnp.float32),
    }


def reference(hidden_states, router_w, router_b, w1, b1, w2, b2):
    Bv, Sv, Hv = hidden_states.shape
    x = hidden_states.reshape(-1, Hv)
    T = x.shape[0]
    # Router: softmax gate -> top_k experts (Switch-style: raw prob used as weight)
    logits = x @ router_w + router_b
    probs = jax.nn.softmax(logits, axis=-1)
    top_vals, top_idx = jax.lax.top_k(probs, K)
    out = jnp.zeros_like(x)

    # Dispatch -> per-expert FFN (Linear -> GELU -> Linear, dropout=0.0) -> weighted combine
    def body(carry, expert):
        w1_e, b1_e, w2_e, b2_e, e = expert
        gate = jnp.sum(jnp.where(top_idx == e, top_vals, 0.0), axis=-1)
        h = jax.nn.gelu(x @ w1_e + b1_e)
        y = h @ w2_e + b2_e
        return carry + gate[:, None] * y, None

    out, _ = jax.lax.scan(
        body, out, (w1, b1, w2, b2, jnp.arange(E, dtype=top_idx.dtype))
    )
    # Load balancing loss: coef * E * sum(f_e * P_e)
    e_flat = top_idx.reshape(-1)
    counts = jnp.zeros((E,), dtype=jnp.float32).at[e_flat].add(1.0)
    f = (counts / float(T * K)).astype(jnp.float32)
    P = probs.mean(axis=0)
    balance_loss = BALANCE_COEF * E * jnp.sum(f * P)
    # Residual connection
    output = out.reshape(Bv, Sv, Hv) + hidden_states
    return output, balance_loss

if __name__ == "__main__":
    import jax
    _d = setup_inputs()
    print(jax.jit(kernel)(*tuple(_d.values())))

</pallas_src>

<mosaic_0001>
#map = affine_map<(d0, d1) -> (0, 0)>
#map1 = affine_map<(d0, d1) -> (0)>
module attributes {stable_mosaic.version = 14 : i64} {
  func.func @combine(%arg0: i32, %arg1: i32, %arg2: memref<4736x768xf32, #tpu.memory_space<hbm>>, %arg3: memref<4096xi32, #tpu.memory_space<hbm>>, %arg4: memref<4096x768xf32, #tpu.memory_space<hbm>>, %arg5: memref<128xi32, #tpu.memory_space<vmem>>, %arg6: memref<128x768xf32, #tpu.memory_space<vmem>>, %arg7: memref<!tpu.dma_semaphore, #tpu.memory_space<semaphore_mem>>) attributes {dimension_semantics = [#tpu.dimension_semantics<core_parallel>, #tpu.dimension_semantics<subcore_parallel>], iteration_bounds = array<i64: 2, 16>, scalar_prefetch = 0 : i64, scratch_operands = 3 : i64, tpu.core_type = #tpu.core_type<sc_vector_subcore>, window_params = [{transform_indices = #map}, {transform_indices = #map1}, {transform_indices = #map}]} {
    %mul3A = arith.constant 2 : i32
    %mul3A_0 = arith.muli %arg1, %mul3A : i32
    %add3A = arith.addi %mul3A_0, %arg0 : i32
    %mul3A_1 = arith.constant 128 : i32
    %mul3A_2 = arith.muli %add3A, %mul3A_1 : i32
    "tpu.region"() ({
      %run_scoped3A = tpu.sem_alloc : memref<!tpu.dma_semaphore, #tpu.memory_space<semaphore_mem>>
      %dma_start3A_35 = tpu.memref_slice %arg3[%mul3A_2] : memref<4096xi32, #tpu.memory_space<hbm>> -> memref<128xi32, #tpu.memory_space<hbm>>
      %dma_start3A_36 = tpu.memref_slice %arg3[%mul3A_2] : memref<4096xi32, #tpu.memory_space<hbm>> -> memref<128xi32, #tpu.memory_space<hbm>>
      tpu.enqueue_dma source(%dma_start3A_36 : memref<128xi32, #tpu.memory_space<hbm>>) target(%arg5 : memref<128xi32, #tpu.memory_space<vmem>>) target_semaphore(%run_scoped3A : memref<!tpu.dma_semaphore, #tpu.memory_space<semaphore_mem>>)
      %dma_wait3A_37 = tpu.memref_slice %arg3[%mul3A_2] : memref<4096xi32, #tpu.memory_space<hbm>> -> memref<128xi32, #tpu.memory_space<hbm>>
      %dma_wait3A_38 = tpu.memref_slice %arg3[%mul3A_2] : memref<4096xi32, #tpu.memory_space<hbm>> -> memref<128xi32, #tpu.memory_space<hbm>>
      tpu.wait_dma2 semaphore(%run_scoped3A : memref<!tpu.dma_semaphore, #tpu.memory_space<semaphore_mem>>) src(%dma_wait3A_38 : memref<128xi32, #tpu.memory_space<hbm>>) dst(%arg5 : memref<128xi32, #tpu.memory_space<vmem>>)
      tpu.yield
    }) : () -> ()
    %dma_start3A = arith.constant 0 : i32
    %dma_start3A_3 = arith.constant 0 : i32
    %dma_start3A_4 = tpu.memref_slice %arg6[%dma_start3A, %dma_start3A_3] : memref<128x768xf32, #tpu.memory_space<vmem>> -> memref<64x768xf32, #tpu.memory_space<vmem>>
    %dma_start3A_5 = arith.constant 0 : i32
    %dma_start3A_6 = tpu.memref_slice %arg5[%dma_start3A_5] : memref<128xi32, #tpu.memory_space<vmem>> -> memref<64xi32, #tpu.memory_space<vmem>>
    %dma_start3A_7 = arith.constant 0 : i32
    %dma_start3A_8 = arith.constant 0 : i32
    %dma_start3A_9 = tpu.memref_slice %arg2[%dma_start3A_7, %dma_start3A_8] : memref<4736x768xf32, #tpu.memory_space<hbm>> -> memref<4736x768xf32, #tpu.memory_space<hbm>>
    tpu.enqueue_indirect_dma source(%dma_start3A_9 : memref<4736x768xf32, #tpu.memory_space<hbm>>) target(%dma_start3A_4 : memref<64x768xf32, #tpu.memory_space<vmem>>) offsets(%dma_start3A_6 : memref<64xi32, #tpu.memory_space<vmem>>) semaphore(%arg7 : memref<!tpu.dma_semaphore, #tpu.memory_space<semaphore_mem>>)
    %dma_start3A_10 = arith.constant 64 : i32
    %dma_start3A_11 = arith.constant 0 : i32
    %dma_start3A_12 = tpu.memref_slice %arg6[%dma_start3A_10, %dma_start3A_11] : memref<128x768xf32, #tpu.memory_space<vmem>> -> memref<64x768xf32, #tpu.memory_space<vmem>>
    %dma_start3A_13 = arith.constant 64 : i32
    %dma_start3A_14 = tpu.memref_slice %arg5[%dma_start3A_13] : memref<128xi32, #tpu.memory_space<vmem>> -> memref<64xi32, #tpu.memory_space<vmem>>
    %dma_start3A_15 = arith.constant 0 : i32
    %dma_start3A_16 = arith.constant 0 : i32
    %dma_start3A_17 = tpu.memref_slice %arg2[%dma_start3A_15, %dma_start3A_16] : memref<4736x768xf32, #tpu.memory_space<hbm>> -> memref<4736x768xf32, #tpu.memory_space<hbm>>
    tpu.enqueue_indirect_dma source(%dma_start3A_17 : memref<4736x768xf32, #tpu.memory_space<hbm>>) target(%dma_start3A_12 : memref<64x768xf32, #tpu.memory_space<vmem>>) offsets(%dma_start3A_14 : memref<64xi32, #tpu.memory_space<vmem>>) semaphore(%arg7 : memref<!tpu.dma_semaphore, #tpu.memory_space<semaphore_mem>>)
    %dma_wait3A = arith.constant 0 : i32
    %dma_wait3A_18 = arith.constant 0 : i32
    %dma_wait3A_19 = tpu.memref_slice %arg6[%dma_wait3A, %dma_wait3A_18] : memref<128x768xf32, #tpu.memory_space<vmem>> -> memref<64x768xf32, #tpu.memory_space<vmem>>
    %dma_wait3A_20 = arith.constant 0 : i32
    %dma_wait3A_21 = tpu.memref_slice %arg5[%dma_wait3A_20] : memref<128xi32, #tpu.memory_space<vmem>> -> memref<64xi32, #tpu.memory_space<vmem>>
    %dma_wait3A_22 = arith.constant 0 : i32
    %dma_wait3A_23 = arith.constant 0 : i32
    %dma_wait3A_24 = tpu.memref_slice %arg2[%dma_wait3A_22, %dma_wait3A_23] : memref<4736x768xf32, #tpu.memory_space<hbm>> -> memref<4736x768xf32, #tpu.memory_space<hbm>>
    tpu.wait_indirect_dma semaphore(%arg7 : memref<!tpu.dma_semaphore, #tpu.memory_space<semaphore_mem>>) src(%dma_wait3A_24 : memref<4736x768xf32, #tpu.memory_space<hbm>>) dst(%dma_wait3A_19 : memref<64x768xf32, #tpu.memory_space<vmem>>)
    "tpu.region"() ({
      %run_scoped3A = tpu.sem_alloc : memref<!tpu.dma_semaphore, #tpu.memory_space<semaphore_mem>>
      %dma_start3A_35 = arith.constant 0 : i32
      %dma_start3A_36 = arith.constant 0 : i32
      %dma_start3A_37 = tpu.memref_slice %arg6[%dma_start3A_35, %dma_start3A_36] : memref<128x768xf32, #tpu.memory_space<vmem>> -> memref<64x768xf32, #tpu.memory_space<vmem>>
      %dma_start3A_38 = arith.constant 0 : i32
      %dma_start3A_39 = tpu.memref_slice %arg4[%mul3A_2, %dma_start3A_38] : memref<4096x768xf32, #tpu.memory_space<hbm>> -> memref<64x768xf32, #tpu.memory_space<hbm>>
      %dma_start3A_40 = arith.constant 0 : i32
      %dma_start3A_41 = tpu.memref_slice %arg4[%mul3A_2, %dma_start3A_40] : memref<4096x768xf32, #tpu.memory_space<hbm>> -> memref<64x768xf32, #tpu.memory_space<hbm>>
      %dma_start3A_42 = arith.constant 0 : i32
      %dma_start3A_43 = arith.constant 0 : i32
      %dma_start3A_44 = tpu.memref_slice %arg6[%dma_start3A_42, %dma_start3A_43] : memref<128x768xf32, #tpu.memory_space<vmem>> -> memref<64x768xf32, #tpu.memory_space<vmem>>
      tpu.enqueue_dma source(%dma_start3A_44 : memref<64x768xf32, #tpu.memory_space<vmem>>) target(%dma_start3A_41 : memref<64x768xf32, #tpu.memory_space<hbm>>) target_semaphore(%run_scoped3A : memref<!tpu.dma_semaphore, #tpu.memory_space<semaphore_mem>>)
      %dma_wait3A_45 = arith.constant 0 : i32
      %dma_wait3A_46 = arith.constant 0 : i32
      %dma_wait3A_47 = tpu.memref_slice %arg6[%dma_wait3A_45, %dma_wait3A_46] : memref<128x768xf32, #tpu.memory_space<vmem>> -> memref<64x768xf32, #tpu.memory_space<vmem>>
      %dma_wait3A_48 = arith.constant 0 : i32
      %dma_wait3A_49 = tpu.memref_slice %arg4[%mul3A_2, %dma_wait3A_48] : memref<4096x768xf32, #tpu.memory_space<hbm>> -> memref<64x768xf32, #tpu.memory_space<hbm>>
      %dma_wait3A_50 = arith.constant 0 : i32
      %dma_wait3A_51 = tpu.memref_slice %arg4[%mul3A_2, %dma_wait3A_50] : memref<4096x768xf32, #tpu.memory_space<hbm>> -> memref<64x768xf32, #tpu.memory_space<hbm>>
      %dma_wait3A_52 = arith.constant 0 : i32
      %dma_wait3A_53 = arith.constant 0 : i32
      %dma_wait3A_54 = tpu.memref_slice %arg6[%dma_wait3A_52, %dma_wait3A_53] : memref<128x768xf32, #tpu.memory_space<vmem>> -> memref<64x768xf32, #tpu.memory_space<vmem>>
      tpu.wait_dma2 semaphore(%run_scoped3A : memref<!tpu.dma_semaphore, #tpu.memory_space<semaphore_mem>>) src(%dma_wait3A_54 : memref<64x768xf32, #tpu.memory_space<vmem>>) dst(%dma_wait3A_51 : memref<64x768xf32, #tpu.memory_space<hbm>>)
      tpu.yield
    }) : () -> ()
    %dma_wait3A_25 = arith.constant 64 : i32
    %dma_wait3A_26 = arith.constant 0 : i32
    %dma_wait3A_27 = tpu.memref_slice %arg6[%dma_wait3A_25, %dma_wait3A_26] : memref<128x768xf32, #tpu.memory_space<vmem>> -> memref<64x768xf32, #tpu.memory_space<vmem>>
    %dma_wait3A_28 = arith.constant 64 : i32
    %dma_wait3A_29 = tpu.memref_slice %arg5[%dma_wait3A_28] : memref<128xi32, #tpu.memory_space<vmem>> -> memref<64xi32, #tpu.memory_space<vmem>>
    %dma_wait3A_30 = arith.constant 0 : i32
    %dma_wait3A_31 = arith.constant 0 : i32
    %dma_wait3A_32 = tpu.memref_slice %arg2[%dma_wait3A_30, %dma_wait3A_31] : memref<4736x768xf32, #tpu.memory_space<hbm>> -> memref<4736x768xf32, #tpu.memory_space<hbm>>
    tpu.wait_indirect_dma semaphore(%arg7 : memref<!tpu.dma_semaphore, #tpu.memory_space<semaphore_mem>>) src(%dma_wait3A_32 : memref<4736x768xf32, #tpu.memory_space<hbm>>) dst(%dma_wait3A_27 : memref<64x768xf32, #tpu.memory_space<vmem>>)
    %add3A_33 = arith.constant 64 : i32
    %add3A_34 = arith.addi %mul3A_2, %add3A_33 : i32
    "tpu.region"() ({
      %run_scoped3A = tpu.sem_alloc : memref<!tpu.dma_semaphore, #tpu.memory_space<semaphore_mem>>
      %dma_start3A_35 = arith.constant 64 : i32
      %dma_start3A_36 = arith.constant 0 : i32
      %dma_start3A_37 = tpu.memref_slice %arg6[%dma_start3A_35, %dma_start3A_36] : memref<128x768xf32, #tpu.memory_space<vmem>> -> memref<64x768xf32, #tpu.memory_space<vmem>>
      %dma_start3A_38 = arith.constant 0 : i32
      %dma_start3A_39 = tpu.memref_slice %arg4[%add3A_34, %dma_start3A_38] : memref<4096x768xf32, #tpu.memory_space<hbm>> -> memref<64x768xf32, #tpu.memory_space<hbm>>
      %dma_start3A_40 = arith.constant 0 : i32
      %dma_start3A_41 = tpu.memref_slice %arg4[%add3A_34, %dma_start3A_40] : memref<4096x768xf32, #tpu.memory_space<hbm>> -> memref<64x768xf32, #tpu.memory_space<hbm>>
      %dma_start3A_42 = arith.constant 64 : i32
      %dma_start3A_43 = arith.constant 0 : i32
      %dma_start3A_44 = tpu.memref_slice %arg6[%dma_start3A_42, %dma_start3A_43] : memref<128x768xf32, #tpu.memory_space<vmem>> -> memref<64x768xf32, #tpu.memory_space<vmem>>
      tpu.enqueue_dma source(%dma_start3A_44 : memref<64x768xf32, #tpu.memory_space<vmem>>) target(%dma_start3A_41 : memref<64x768xf32, #tpu.memory_space<hbm>>) target_semaphore(%run_scoped3A : memref<!tpu.dma_semaphore, #tpu.memory_space<semaphore_mem>>)
      %dma_wait3A_45 = arith.constant 64 : i32
      %dma_wait3A_46 = arith.constant 0 : i32
      %dma_wait3A_47 = tpu.memref_slice %arg6[%dma_wait3A_45, %dma_wait3A_46] : memref<128x768xf32, #tpu.memory_space<vmem>> -> memref<64x768xf32, #tpu.memory_space<vmem>>
      %dma_wait3A_48 = arith.constant 0 : i32
      %dma_wait3A_49 = tpu.memref_slice %arg4[%add3A_34, %dma_wait3A_48] : memref<4096x768xf32, #tpu.memory_space<hbm>> -> memref<64x768xf32, #tpu.memory_space<hbm>>
      %dma_wait3A_50 = arith.constant 0 : i32
      %dma_wait3A_51 = tpu.memref_slice %arg4[%add3A_34, %dma_wait3A_50] : memref<4096x768xf32, #tpu.memory_space<hbm>> -> memref<64x768xf32, #tpu.memory_space<hbm>>
      %dma_wait3A_52 = arith.constant 64 : i32
      %dma_wait3A_53 = arith.constant 0 : i32
      %dma_wait3A_54 = tpu.memref_slice %arg6[%dma_wait3A_52, %dma_wait3A_53] : memref<128x768xf32, #tpu.memory_space<vmem>> -> memref<64x768xf32, #tpu.memory_space<vmem>>
      tpu.wait_dma2 semaphore(%run_scoped3A : memref<!tpu.dma_semaphore, #tpu.memory_space<semaphore_mem>>) src(%dma_wait3A_54 : memref<64x768xf32, #tpu.memory_space<vmem>>) dst(%dma_wait3A_51 : memref<64x768xf32, #tpu.memory_space<hbm>>)
      tpu.yield
    }) : () -> ()
    return
  }
}

#map = affine_map<(d0, d1) -> (0, 0)>
#map1 = affine_map<(d0, d1) -> (0)>
module attributes {stable_mosaic.version = 14 : i64} {
  func.func @dispatch(%arg0: i32, %arg1: i32, %arg2: memref<4096x768xf32, #tpu.memory_space<hbm>>, %arg3: memref<4096xi32, #tpu.memory_space<hbm>>, %arg4: memref<4736x768xf32, #tpu.memory_space<hbm>>, %arg5: memref<64xi32, #tpu.memory_space<vmem>>, %arg6: memref<64xi32, #tpu.memory_space<vmem>>, %arg7: memref<64x768xf32, #tpu.memory_space<vmem>>, %arg8: memref<64x768xf32, #tpu.memory_space<vmem>>, %arg9: memref<!tpu.dma_semaphore, #tpu.memory_space<semaphore_mem>>, %arg10: memref<!tpu.dma_semaphore, #tpu.memory_space<semaphore_mem>>, %arg11: memref<!tpu.dma_semaphore, #tpu.memory_space<semaphore_mem>>) attributes {dimension_semantics = [#tpu.dimension_semantics<core_parallel>, #tpu.dimension_semantics<subcore_parallel>], iteration_bounds = array<i64: 2, 16>, scalar_prefetch = 0 : i64, scratch_operands = 7 : i64, tpu.core_type = #tpu.core_type<sc_vector_subcore>, window_params = [{transform_indices = #map}, {transform_indices = #map1}, {transform_indices = #map}]} {
    %mul3A = arith.constant 2 : i32
    %mul3A_0 = arith.muli %arg1, %mul3A : i32
    %add3A = arith.addi %mul3A_0, %arg0 : i32
    %mul3A_1 = arith.constant 128 : i32
    %mul3A_2 = arith.muli %add3A, %mul3A_1 : i32
    %dma_start3A = tpu.memref_slice %arg3[%mul3A_2] : memref<4096xi32, #tpu.memory_space<hbm>> -> memref<64xi32, #tpu.memory_space<hbm>>
    %dma_start3A_3 = tpu.memref_slice %arg3[%mul3A_2] : memref<4096xi32, #tpu.memory_space<hbm>> -> memref<64xi32, #tpu.memory_space<hbm>>
    tpu.enqueue_dma source(%dma_start3A_3 : memref<64xi32, #tpu.memory_space<hbm>>) target(%arg5 : memref<64xi32, #tpu.memory_space<vmem>>) target_semaphore(%arg9 : memref<!tpu.dma_semaphore, #tpu.memory_space<semaphore_mem>>)
    %add3A_4 = arith.constant 64 : i32
    %add3A_5 = arith.addi %mul3A_2, %add3A_4 : i32
    %dma_start3A_6 = tpu.memref_slice %arg3[%add3A_5] : memref<4096xi32, #tpu.memory_space<hbm>> -> memref<64xi32, #tpu.memory_space<hbm>>
    %dma_start3A_7 = tpu.memref_slice %arg3[%add3A_5] : memref<4096xi32, #tpu.memory_space<hbm>> -> memref<64xi32, #tpu.memory_space<hbm>>
    tpu.enqueue_dma source(%dma_start3A_7 : memref<64xi32, #tpu.memory_space<hbm>>) target(%arg6 : memref<64xi32, #tpu.memory_space<vmem>>) target_semaphore(%arg9 : memref<!tpu.dma_semaphore, #tpu.memory_space<semaphore_mem>>)
    %dma_start3A_8 = arith.constant 0 : i32
    %dma_start3A_9 = tpu.memref_slice %arg2[%mul3A_2, %dma_start3A_8] : memref<4096x768xf32, #tpu.memory_space<hbm>> -> memref<64x768xf32, #tpu.memory_space<hbm>>
    %dma_start3A_10 = arith.constant 0 : i32
    %dma_start3A_11 = tpu.memref_slice %arg2[%mul3A_2, %dma_start3A_10] : memref<4096x768xf32, #tpu.memory_space<hbm>> -> memref<64x768xf32, #tpu.memory_space<hbm>>
    tpu.enqueue_dma source(%dma_start3A_11 : memref<64x768xf32, #tpu.memory_space<hbm>>) target(%arg7 : memref<64x768xf32, #tpu.memory_space<vmem>>) target_semaphore(%arg10 : memref<!tpu.dma_semaphore, #tpu.memory_space<semaphore_mem>>)
    %add3A_12 = arith.constant 64 : i32
    %add3A_13 = arith.addi %mul3A_2, %add3A_12 : i32
    %dma_start3A_14 = arith.constant 0 : i32
    %dma_start3A_15 = tpu.memref_slice %arg2[%add3A_13, %dma_start3A_14] : memref<4096x768xf32, #tpu.memory_space<hbm>> -> memref<64x768xf32, #tpu.memory_space<hbm>>
    %dma_start3A_16 = arith.constant 0 : i32
    %dma_start3A_17 = tpu.memref_slice %arg2[%add3A_13, %dma_start3A_16] : memref<4096x768xf32, #tpu.memory_space<hbm>> -> memref<64x768xf32, #tpu.memory_space<hbm>>
    tpu.enqueue_dma source(%dma_start3A_17 : memref<64x768xf32, #tpu.memory_space<hbm>>) target(%arg8 : memref<64x768xf32, #tpu.memory_space<vmem>>) target_semaphore(%arg10 : memref<!tpu.dma_semaphore, #tpu.memory_space<semaphore_mem>>)
    %dma_wait3A = tpu.memref_slice %arg3[%mul3A_2] : memref<4096xi32, #tpu.memory_space<hbm>> -> memref<64xi32, #tpu.memory_space<hbm>>
    %dma_wait3A_18 = tpu.memref_slice %arg3[%mul3A_2] : memref<4096xi32, #tpu.memory_space<hbm>> -> memref<64xi32, #tpu.memory_space<hbm>>
    tpu.wait_dma2 semaphore(%arg9 : memref<!tpu.dma_semaphore, #tpu.memory_space<semaphore_mem>>) src(%dma_wait3A_18 : memref<64xi32, #tpu.memory_space<hbm>>) dst(%arg5 : memref<64xi32, #tpu.memory_space<vmem>>)
    %dma_wait3A_19 = tpu.memref_slice %arg3[%add3A_5] : memref<4096xi32, #tpu.memory_space<hbm>> -> memref<64xi32, #tpu.memory_space<hbm>>
    %dma_wait3A_20 = tpu.memref_slice %arg3[%add3A_5] : memref<4096xi32, #tpu.memory_space<hbm>> -> memref<64xi32, #tpu.memory_space<hbm>>
    tpu.wait_dma2 semaphore(%arg9 : memref<!tpu.dma_semaphore, #tpu.memory_space<semaphore_mem>>) src(%dma_wait3A_20 : memref<64xi32, #tpu.memory_space<hbm>>) dst(%arg6 : memref<64xi32, #tpu.memory_space<vmem>>)
    %dma_wait3A_21 = arith.constant 0 : i32
    %dma_wait3A_22 = tpu.memref_slice %arg2[%mul3A_2, %dma_wait3A_21] : memref<4096x768xf32, #tpu.memory_space<hbm>> -> memref<64x768xf32, #tpu.memory_space<hbm>>
    %dma_wait3A_23 = arith.constant 0 : i32
    %dma_wait3A_24 = tpu.memref_slice %arg2[%mul3A_2, %dma_wait3A_23] : memref<4096x768xf32, #tpu.memory_space<hbm>> -> memref<64x768xf32, #tpu.memory_space<hbm>>
    tpu.wait_dma2 semaphore(%arg10 : memref<!tpu.dma_semaphore, #tpu.memory_space<semaphore_mem>>) src(%dma_wait3A_24 : memref<64x768xf32, #tpu.memory_space<hbm>>) dst(%arg7 : memref<64x768xf32, #tpu.memory_space<vmem>>)
    %dma_start3A_25 = arith.constant 0 : i32
    %dma_start3A_26 = arith.constant 0 : i32
    %dma_start3A_27 = tpu.memref_slice %arg4[%dma_start3A_25, %dma_start3A_26] : memref<4736x768xf32, #tpu.memory_space<hbm>> -> memref<4736x768xf32, #tpu.memory_space<hbm>>
    tpu.enqueue_indirect_dma source(%arg7 : memref<64x768xf32, #tpu.memory_space<vmem>>) target(%dma_start3A_27 : memref<4736x768xf32, #tpu.memory_space<hbm>>) offsets(%arg5 : memref<64xi32, #tpu.memory_space<vmem>>) semaphore(%arg11 : memref<!tpu.dma_semaphore, #tpu.memory_space<semaphore_mem>>)
    %dma_wait3A_28 = arith.constant 0 : i32
    %dma_wait3A_29 = tpu.memref_slice %arg2[%add3A_13, %dma_wait3A_28] : memref<4096x768xf32, #tpu.memory_space<hbm>> -> memref<64x768xf32, #tpu.memory_space<hbm>>
    %dma_wait3A_30 = arith.constant 0 : i32
    %dma_wait3A_31 = tpu.memref_slice %arg2[%add3A_13, %dma_wait3A_30] : memref<4096x768xf32, #tpu.memory_space<hbm>> -> memref<64x768xf32, #tpu.memory_space<hbm>>
    tpu.wait_dma2 semaphore(%arg10 : memref<!tpu.dma_semaphore, #tpu.memory_space<semaphore_mem>>) src(%dma_wait3A_31 : memref<64x768xf32, #tpu.memory_space<hbm>>) dst(%arg8 : memref<64x768xf32, #tpu.memory_space<vmem>>)
    %dma_start3A_32 = arith.constant 0 : i32
    %dma_start3A_33 = arith.constant 0 : i32
    %dma_start3A_34 = tpu.memref_slice %arg4[%dma_start3A_32, %dma_start3A_33] : memref<4736x768xf32, #tpu.memory_space<hbm>> -> memref<4736x768xf32, #tpu.memory_space<hbm>>
    tpu.enqueue_indirect_dma source(%arg8 : memref<64x768xf32, #tpu.memory_space<vmem>>) target(%dma_start3A_34 : memref<4736x768xf32, #tpu.memory_space<hbm>>) offsets(%arg6 : memref<64xi32, #tpu.memory_space<vmem>>) semaphore(%arg11 : memref<!tpu.dma_semaphore, #tpu.memory_space<semaphore_mem>>)
    %dma_wait3A_35 = arith.constant 0 : i32
    %dma_wait3A_36 = arith.constant 0 : i32
    %dma_wait3A_37 = tpu.memref_slice %arg4[%dma_wait3A_35, %dma_wait3A_36] : memref<4736x768xf32, #tpu.memory_space<hbm>> -> memref<4736x768xf32, #tpu.memory_space<hbm>>
    tpu.wait_indirect_dma semaphore(%arg11 : memref<!tpu.dma_semaphore, #tpu.memory_space<semaphore_mem>>) src(%arg7 : memref<64x768xf32, #tpu.memory_space<vmem>>) dst(%dma_wait3A_37 : memref<4736x768xf32, #tpu.memory_space<hbm>>)
    %dma_wait3A_38 = arith.constant 0 : i32
    %dma_wait3A_39 = arith.constant 0 : i32
    %dma_wait3A_40 = tpu.memref_slice %arg4[%dma_wait3A_38, %dma_wait3A_39] : memref<4736x768xf32, #tpu.memory_space<hbm>> -> memref<4736x768xf32, #tpu.memory_space<hbm>>
    tpu.wait_indirect_dma semaphore(%arg11 : memref<!tpu.dma_semaphore, #tpu.memory_space<semaphore_mem>>) src(%arg8 : memref<64x768xf32, #tpu.memory_space<vmem>>) dst(%dma_wait3A_40 : memref<4736x768xf32, #tpu.memory_space<hbm>>)
    return
  }
}

module attributes {stable_mosaic.version = 14 : i64} {
  func.func @_router_body(%arg0: memref<4096x768xf32, #tpu.memory_space<vmem>>, %arg1: memref<768x64xf32, #tpu.memory_space<vmem>>, %arg2: memref<1x64xf32, #tpu.memory_space<vmem>>, %arg3: memref<4096x1xi32, #tpu.memory_space<vmem>>, %arg4: memref<1x64xi32, #tpu.memory_space<vmem>>, %arg5: memref<1x64xi32, #tpu.memory_space<vmem>>, %arg6: memref<1x1xf32, #tpu.memory_space<vmem>>) attributes {dimension_semantics = [], scalar_prefetch = 0 : i64, scratch_operands = 0 : i64, tpu.core_type = #tpu.core_type<tc>} {
    %get3A = arith.constant 0 : index
    %get3A_0 = arith.constant 0 : index
    %get3A_1 = vector.load %arg0[%get3A, %get3A_0] : memref<4096x768xf32, #tpu.memory_space<vmem>>, vector<4096x768xf32>
    %get3A_2 = arith.constant 0 : index
    %get3A_3 = arith.constant 0 : index
    %get3A_4 = vector.load %arg1[%get3A_2, %get3A_3] : memref<768x64xf32, #tpu.memory_space<vmem>>, vector<768x64xf32>
    %dot_general3A = arith.constant dense<0.000000e+00> : vector<4096x64xf32>
    %dot_general3A_5 = tpu.matmul %get3A_1, %get3A_4, %dot_general3A {dimension_numbers = #tpu.dot_dimension_numbers<[1], [0], [0], [1], [0, 0, 1, 1], [], []>, transpose_lhs_hint = false} : vector<4096x768xf32>, vector<768x64xf32>, vector<4096x64xf32> -> vector<4096x64xf32>
    %get3A_6 = arith.constant 0 : index
    %get3A_7 = arith.constant 0 : index
    %get3A_8 = vector.load %arg2[%get3A_6, %get3A_7] : memref<1x64xf32, #tpu.memory_space<vmem>>, vector<1x64xf32>
    %add3A = vector.broadcast %get3A_8 : vector<1x64xf32> to vector<4096x64xf32>
    %add3A_9 = arith.addf %dot_general3A_5, %add3A : vector<4096x64xf32>
    %reduce_max3A = arith.constant dense<0xFF800000> : vector<4096xf32>
    %reduce_max3A_10 = vector.multi_reduction <maximumf>, %add3A_9, %reduce_max3A [1] : vector<4096x64xf32> to vector<4096xf32>
    %broadcast_in_dim3A = vector.shape_cast %reduce_max3A_10 : vector<4096xf32> to vector<4096x1xf32>
    %sub3A = vector.broadcast %broadcast_in_dim3A : vector<4096x1xf32> to vector<4096x64xf32>
    %sub3A_11 = arith.subf %add3A_9, %sub3A : vector<4096x64xf32>
    %exp3A = math.exp %sub3A_11 : vector<4096x64xf32>
    %reduce_sum3A = arith.constant dense<0.000000e+00> : vector<4096xf32>
    %reduce_sum3A_12 = vector.multi_reduction <add>, %exp3A, %reduce_sum3A [1] : vector<4096x64xf32> to vector<4096xf32>
    %broadcast_in_dim3A_13 = vector.shape_cast %reduce_sum3A_12 : vector<4096xf32> to vector<4096x1xf32>
    %div3A = vector.broadcast %broadcast_in_dim3A_13 : vector<4096x1xf32> to vector<4096x64xf32>
    %div3A_14 = arith.divf %exp3A, %div3A : vector<4096x64xf32>
    %reduce_max3A_15 = arith.constant dense<0xFF800000> : vector<4096xf32>
    %reduce_max3A_16 = vector.multi_reduction <maximumf>, %div3A_14, %reduce_max3A_15 [1] : vector<4096x64xf32> to vector<4096xf32>
    %broadcast_in_dim3A_17 = vector.shape_cast %reduce_max3A_16 : vector<4096xf32> to vector<4096x1xf32>
    %iota3A = tpu.iota {dimensions = array<i32: 1>} : vector<4096x64xi32>
    %eq3A = vector.broadcast %broadcast_in_dim3A_17 : vector<4096x1xf32> to vector<4096x64xf32>
    %eq3A_18 = arith.cmpf oeq, %div3A_14, %eq3A : vector<4096x64xf32>
    %jit3A = arith.constant 64 : i32
    %broadcast_in_dim3A_19 = vector.broadcast %jit3A : i32 to vector<4096x64xi32>
    %select_n3A = arith.select %eq3A_18, %iota3A, %broadcast_in_dim3A_19 : vector<4096x64xi1>, vector<4096x64xi32>
    %reduce_min3A = arith.constant dense<2147483647> : vector<4096xi32>
    %reduce_min3A_20 = vector.multi_reduction <minsi>, %select_n3A, %reduce_min3A [1] : vector<4096x64xi32> to vector<4096xi32>
    %broadcast_in_dim3A_21 = vector.shape_cast %reduce_min3A_20 : vector<4096xi32> to vector<4096x1xi32>
    %eq3A_22 = vector.broadcast %broadcast_in_dim3A_21 : vector<4096x1xi32> to vector<4096x64xi32>
    %eq3A_23 = arith.cmpi eq, %iota3A, %eq3A_22 : vector<4096x64xi32>
    %convert_element_type3A = arith.extui %eq3A_23 : vector<4096x64xi1> to vector<4096x64xi32>
    %convert_element_type3A_24 = arith.sitofp %convert_element_type3A : vector<4096x64xi32> to vector<4096x64xf32>
    %iota3A_25 = tpu.iota {dimensions = array<i32: 0>} : vector<512x512xi32>
    %iota3A_26 = tpu.iota {dimensions = array<i32: 1>} : vector<512x512xi32>
    %le3A = arith.cmpi sle, %iota3A_26, %iota3A_25 : vector<512x512xi32>
    %convert_element_type3A_27 = arith.extui %le3A : vector<512x512xi1> to vector<512x512xi32>
    %convert_element_type3A_28 = arith.sitofp %convert_element_type3A_27 : vector<512x512xi32> to vector<512x512xf32>
    %broadcast_in_dim3A_29 = arith.constant 0.000000e+00 : f32
    %broadcast_in_dim3A_30 = vector.broadcast %broadcast_in_dim3A_29 : f32 to vector<1x64xf32>
    %slice3A = vector.extract_strided_slice %convert_element_type3A_24 {offsets = [0, 0], sizes = [512, 64], strides = [1, 1]} : vector<4096x64xf32> to vector<512x64xf32>
    %dot_general3A_31 = arith.constant dense<0.000000e+00> : vector<512x64xf32>
    %dot_general3A_32 = tpu.matmul %convert_element_type3A_28, %slice3A, %dot_general3A_31 {dimension_numbers = #tpu.dot_dimension_numbers<[1], [0], [0], [1], [0, 0, 1, 1], [], []>, transpose_lhs_hint = false} : vector<512x512xf32>, vector<512x64xf32>, vector<512x64xf32> -> vector<512x64xf32>
    %add3A_33 = vector.broadcast %broadcast_in_dim3A_30 : vector<1x64xf32> to vector<512x64xf32>
    %add3A_34 = arith.addf %add3A_33, %dot_general3A_32 : vector<512x64xf32>
    %sub3A_35 = arith.constant 1.000000e+00 : f32
    %sub3A_36 = vector.broadcast %sub3A_35 : f32 to vector<512x64xf32>
    %sub3A_37 = arith.subf %add3A_34, %sub3A_36 : vector<512x64xf32>
    %reduce_sum3A_38 = arith.constant dense<0.000000e+00> : vector<64xf32>
    %reduce_sum3A_39 = vector.multi_reduction <add>, %slice3A, %reduce_sum3A_38 [0] : vector<512x64xf32> to vector<64xf32>
    %broadcast_in_dim3A_40 = vector.shape_cast %reduce_sum3A_39 : vector<64xf32> to vector<1x64xf32>
    %add3A_41 = arith.addf %broadcast_in_dim3A_30, %broadcast_in_dim3A_40 : vector<1x64xf32>
    %slice3A_42 = vector.extract_strided_slice %convert_element_type3A_24 {offsets = [512, 0], sizes = [512, 64], strides = [1, 1]} : vector<4096x64xf32> to vector<512x64xf32>
    %dot_general3A_43 = arith.constant dense<0.000000e+00> : vector<512x64xf32>
    %dot_general3A_44 = tpu.matmul %convert_element_type3A_28, %slice3A_42, %dot_general3A_43 {dimension_numbers = #tpu.dot_dimension_numbers<[1], [0], [0], [1], [0, 0, 1, 1], [], []>, transpose_lhs_hint = false} : vector<512x512xf32>, vector<512x64xf32>, vector<512x64xf32> -> vector<512x64xf32>
    %add3A_45 = vector.broadcast %add3A_41 : vector<1x64xf32> to vector<512x64xf32>
    %add3A_46 = arith.addf %add3A_45, %dot_general3A_44 : vector<512x64xf32>
    %sub3A_47 = arith.constant 1.000000e+00 : f32
    %sub3A_48 = vector.broadcast %sub3A_47 : f32 to vector<512x64xf32>
    %sub3A_49 = arith.subf %add3A_46, %sub3A_48 : vector<512x64xf32>
    %reduce_sum3A_50 = arith.constant dense<0.000000e+00> : vector<64xf32>
    %reduce_sum3A_51 = vector.multi_reduction <add>, %slice3A_42, %reduce_sum3A_50 [0] : vector<512x64xf32> to vector<64xf32>
    %broadcast_in_dim3A_52 = vector.shape_cast %reduce_sum3A_51 : vector<64xf32> to vector<1x64xf32>
    %add3A_53 = arith.addf %add3A_41, %broadcast_in_dim3A_52 : vector<1x64xf32>
    %slice3A_54 = vector.extract_strided_slice %convert_element_type3A_24 {offsets = [1024, 0], sizes = [512, 64], strides = [1, 1]} : vector<4096x64xf32> to vector<512x64xf32>
    %dot_general3A_55 = arith.constant dense<0.000000e+00> : vector<512x64xf32>
    %dot_general3A_56 = tpu.matmul %convert_element_type3A_28, %slice3A_54, %dot_general3A_55 {dimension_numbers = #tpu.dot_dimension_numbers<[1], [0], [0], [1], [0, 0, 1, 1], [], []>, transpose_lhs_hint = false} : vector<512x512xf32>, vector<512x64xf32>, vector<512x64xf32> -> vector<512x64xf32>
    %add3A_57 = vector.broadcast %add3A_53 : vector<1x64xf32> to vector<512x64xf32>
    %add3A_58 = arith.addf %add3A_57, %dot_general3A_56 : vector<512x64xf32>
    %sub3A_59 = arith.constant 1.000000e+00 : f32
    %sub3A_60 = vector.broadcast %sub3A_59 : f32 to vector<512x64xf32>
    %sub3A_61 = arith.subf %add3A_58, %sub3A_60 : vector<512x64xf32>
    %reduce_sum3A_62 = arith.constant dense<0.000000e+00> : vector<64xf32>
    %reduce_sum3A_63 = vector.multi_reduction <add>, %slice3A_54, %reduce_sum3A_62 [0] : vector<512x64xf32> to vector<64xf32>
    %broadcast_in_dim3A_64 = vector.shape_cast %reduce_sum3A_63 : vector<64xf32> to vector<1x64xf32>
    %add3A_65 = arith.addf %add3A_53, %broadcast_in_dim3A_64 : vector<1x64xf32>
    %slice3A_66 = vector.extract_strided_slice %convert_element_type3A_24 {offsets = [1536, 0], sizes = [512, 64], strides = [1, 1]} : vector<4096x64xf32> to vector<512x64xf32>
    %dot_general3A_67 = arith.constant dense<0.000000e+00> : vector<512x64xf32>
    %dot_general3A_68 = tpu.matmul %convert_element_type3A_28, %slice3A_66, %dot_general3A_67 {dimension_numbers = #tpu.dot_dimension_numbers<[1], [0], [0], [1], [0, 0, 1, 1], [], []>, transpose_lhs_hint = false} : vector<512x512xf32>, vector<512x64xf32>, vector<512x64xf32> -> vector<512x64xf32>
    %add3A_69 = vector.broadcast %add3A_65 : vector<1x64xf32> to vector<512x64xf32>
    %add3A_70 = arith.addf %add3A_69, %dot_general3A_68 : vector<512x64xf32>
    %sub3A_71 = arith.constant 1.000000e+00 : f32
    %sub3A_72 = vector.broadcast %sub3A_71 : f32 to vector<512x64xf32>
    %sub3A_73 = arith.subf %add3A_70, %sub3A_72 : vector<512x64xf32>
    %reduce_sum3A_74 = arith.constant dense<0.000000e+00> : vector<64xf32>
    %reduce_sum3A_75 = vector.multi_reduction <add>, %slice3A_66, %reduce_sum3A_74 [0] : vector<512x64xf32> to vector<64xf32>
    %broadcast_in_dim3A_76 = vector.shape_cast %reduce_sum3A_75 : vector<64xf32> to vector<1x64xf32>
    %add3A_77 = arith.addf %add3A_65, %broadcast_in_dim3A_76 : vector<1x64xf32>
    %slice3A_78 = vector.extract_strided_slice %convert_element_type3A_24 {offsets = [2048, 0], sizes = [512, 64], strides = [1, 1]} : vector<4096x64xf32> to vector<512x64xf32>
    %dot_general3A_79 = arith.constant dense<0.000000e+00> : vector<512x64xf32>
    %dot_general3A_80 = tpu.matmul %convert_element_type3A_28, %slice3A_78, %dot_general3A_79 {dimension_numbers = #tpu.dot_dimension_numbers<[1], [0], [0], [1], [0, 0, 1, 1], [], []>, transpose_lhs_hint = false} : vector<512x512xf32>, vector<512x64xf32>, vector<512x64xf32> -> vector<512x64xf32>
    %add3A_81 = vector.broadcast %add3A_77 : vector<1x64xf32> to vector<512x64xf32>
    %add3A_82 = arith.addf %add3A_81, %dot_general3A_80 : vector<512x64xf32>
    %sub3A_83 = arith.constant 1.000000e+00 : f32
    %sub3A_84 = vector.broadcast %sub3A_83 : f32 to vector<512x64xf32>
    %sub3A_85 = arith.subf %add3A_82, %sub3A_84 : vector<512x64xf32>
    %reduce_sum3A_86 = arith.constant dense<0.000000e+00> : vector<64xf32>
    %reduce_sum3A_87 = vector.multi_reduction <add>, %slice3A_78, %reduce_sum3A_86 [0] : vector<512x64xf32> to vector<64xf32>
    %broadcast_in_dim3A_88 = vector.shape_cast %reduce_sum3A_87 : vector<64xf32> to vector<1x64xf32>
    %add3A_89 = arith.addf %add3A_77, %broadcast_in_dim3A_88 : vector<1x64xf32>
    %slice3A_90 = vector.extract_strided_slice %convert_element_type3A_24 {offsets = [2560, 0], sizes = [512, 64], strides = [1, 1]} : vector<4096x64xf32> to vector<512x64xf32>
    %dot_general3A_91 = arith.constant dense<0.000000e+00> : vector<512x64xf32>
    %dot_general3A_92 = tpu.matmul %convert_element_type3A_28, %slice3A_90, %dot_general3A_91 {dimension_numbers = #tpu.dot_dimension_numbers<[1], [0], [0], [1], [0, 0, 1, 1], [], []>, transpose_lhs_hint = false} : vector<512x512xf32>, vector<512x64xf32>, vector<512x64xf32> -> vector<512x64xf32>
    %add3A_93 = vector.broadcast %add3A_89 : vector<1x64xf32> to vector<512x64xf32>
    %add3A_94 = arith.addf %add3A_93, %dot_general3A_92 : vector<512x64xf32>
    %sub3A_95 = arith.constant 1.000000e+00 : f32
    %sub3A_96 = vector.broadcast %sub3A_95 : f32 to vector<512x64xf32>
    %sub3A_97 = arith.subf %add3A_94, %sub3A_96 : vector<512x64xf32>
    %reduce_sum3A_98 = arith.constant dense<0.000000e+00> : vector<64xf32>
    %reduce_sum3A_99 = vector.multi_reduction <add>, %slice3A_90, %reduce_sum3A_98 [0] : vector<512x64xf32> to vector<64xf32>
    %broadcast_in_dim3A_100 = vector.shape_cast %reduce_sum3A_99 : vector<64xf32> to vector<1x64xf32>
    %add3A_101 = arith.addf %add3A_89, %broadcast_in_dim3A_100 : vector<1x64xf32>
    %slice3A_102 = vector.extract_strided_slice %convert_element_type3A_24 {offsets = [3072, 0], sizes = [512, 64], strides = [1, 1]} : vector<4096x64xf32> to vector<512x64xf32>
    %dot_general3A_103 = arith.constant dense<0.000000e+00> : vector<512x64xf32>
    %dot_general3A_104 = tpu.matmul %convert_element_type3A_28, %slice3A_102, %dot_general3A_103 {dimension_numbers = #tpu.dot_dimension_numbers<[1], [0], [0], [1], [0, 0, 1, 1], [], []>, transpose_lhs_hint = false} : vector<512x512xf32>, vector<512x64xf32>, vector<512x64xf32> -> vector<512x64xf32>
    %add3A_105 = vector.broadcast %add3A_101 : vector<1x64xf32> to vector<512x64xf32>
    %add3A_106 = arith.addf %add3A_105, %dot_general3A_104 : vector<512x64xf32>
    %sub3A_107 = arith.constant 1.000000e+00 : f32
    %sub3A_108 = vector.broadcast %sub3A_107 : f32 to vector<512x64xf32>
    %sub3A_109 = arith.subf %add3A_106, %sub3A_108 : vector<512x64xf32>
    %reduce_sum3A_110 = arith.constant dense<0.000000e+00> : vector<64xf32>
    %reduce_sum3A_111 = vector.multi_reduction <add>, %slice3A_102, %reduce_sum3A_110 [0] : vector<512x64xf32> to vector<64xf32>
    %broadcast_in_dim3A_112 = vector.shape_cast %reduce_sum3A_111 : vector<64xf32> to vector<1x64xf32>
    %add3A_113 = arith.addf %add3A_101, %broadcast_in_dim3A_112 : vector<1x64xf32>
    %slice3A_114 = vector.extract_strided_slice %convert_element_type3A_24 {offsets = [3584, 0], sizes = [512, 64], strides = [1, 1]} : vector<4096x64xf32> to vector<512x64xf32>
    %dot_general3A_115 = arith.constant dense<0.000000e+00> : vector<512x64xf32>
    %dot_general3A_116 = tpu.matmul %convert_element_type3A_28, %slice3A_114, %dot_general3A_115 {dimension_numbers = #tpu.dot_dimension_numbers<[1], [0], [0], [1], [0, 0, 1, 1], [], []>, transpose_lhs_hint = false} : vector<512x512xf32>, vector<512x64xf32>, vector<512x64xf32> -> vector<512x64xf32>
    %add3A_117 = vector.broadcast %add3A_113 : vector<1x64xf32> to vector<512x64xf32>
    %add3A_118 = arith.addf %add3A_117, %dot_general3A_116 : vector<512x64xf32>
    %sub3A_119 = arith.constant 1.000000e+00 : f32
    %sub3A_120 = vector.broadcast %sub3A_119 : f32 to vector<512x64xf32>
    %sub3A_121 = arith.subf %add3A_118, %sub3A_120 : vector<512x64xf32>
    %reduce_sum3A_122 = arith.constant dense<0.000000e+00> : vector<64xf32>
    %reduce_sum3A_123 = vector.multi_reduction <add>, %slice3A_114, %reduce_sum3A_122 [0] : vector<512x64xf32> to vector<64xf32>
    %broadcast_in_dim3A_124 = vector.shape_cast %reduce_sum3A_123 : vector<64xf32> to vector<1x64xf32>
    %add3A_125 = arith.addf %add3A_113, %broadcast_in_dim3A_124 : vector<1x64xf32>
    %concatenate3A = tpu.concatenate %sub3A_37, %sub3A_49, %sub3A_61, %sub3A_73, %sub3A_85, %sub3A_97, %sub3A_109, %sub3A_121 in 0 : vector<512x64xf32>, vector<512x64xf32>, vector<512x64xf32>, vector<512x64xf32>, vector<512x64xf32>, vector<512x64xf32>, vector<512x64xf32>, vector<512x64xf32> -> vector<4096x64xf32>
    %convert_element_type3A_126 = arith.fptosi %add3A_125 : vector<1x64xf32> to vector<1x64xi32>
    %swap3A = arith.constant 0 : index
    %swap3A_127 = arith.constant 0 : index
    %swap3A_128 = vector.load %arg4[%swap3A, %swap3A_127] : memref<1x64xi32, #tpu.memory_space<vmem>>, vector<1x64xi32>
    tpu.vector_store %arg4[%swap3A, %swap3A_127], %convert_element_type3A_126 {strides = array<i32>} : memref<1x64xi32, #tpu.memory_space<vmem>>, vector<1x64xi32>,
    %convert_element_type3A_129 = arith.fptosi %add3A_125 : vector<1x64xf32> to vector<1x64xi32>
    %add3A_130 = arith.constant 7 : i32
    %add3A_131 = vector.broadcast %add3A_130 : i32 to vector<1x64xi32>
    %add3A_132 = arith.addi %convert_element_type3A_129, %add3A_131 : vector<1x64xi32>
    %jit3A_133 = arith.constant 8 : i32
    %div3A_134 = vector.broadcast %jit3A_133 : i32 to vector<1x64xi32>
    %div3A_135 = arith.divsi %add3A_132, %div3A_134 : vector<1x64xi32>
    %sign3A = arith.constant 0 : i32
    %sign3A_136 = vector.broadcast %sign3A : i32 to vector<1x64xi32>
    %sign3A_137 = arith.cmpi sgt, %add3A_132, %sign3A_136 : vector<1x64xi32>
    %sign3A_138 = arith.extui %sign3A_137 : vector<1x64xi1> to vector<1x64xi32>
    %sign3A_139 = arith.constant 0 : i32
    %sign3A_140 = vector.broadcast %sign3A_139 : i32 to vector<1x64xi32>
    %sign3A_141 = arith.cmpi slt, %add3A_132, %sign3A_140 : vector<1x64xi32>
    %sign3A_142 = arith.extui %sign3A_141 : vector<1x64xi1> to vector<1x64xi32>
    %sign3A_143 = arith.subi %sign3A_138, %sign3A_142 : vector<1x64xi32>
    %sign3A_144 = arith.constant 0 : i32
    %sign3A_145 = arith.cmpi sgt, %jit3A_133, %sign3A_144 : i32
    %sign3A_146 = arith.extui %sign3A_145 : i1 to i32
    %sign3A_147 = arith.constant 0 : i32
    %sign3A_148 = arith.cmpi slt, %jit3A_133, %sign3A_147 : i32
    %sign3A_149 = arith.extui %sign3A_148 : i1 to i32
    %sign3A_150 = arith.subi %sign3A_146, %sign3A_149 : i32
    %ne3A = vector.broadcast %sign3A_150 : i32 to vector<1x64xi32>
    %ne3A_151 = arith.cmpi ne, %sign3A_143, %ne3A : vector<1x64xi32>
    %rem3A = vector.broadcast %jit3A_133 : i32 to vector<1x64xi32>
    %rem3A_152 = arith.remsi %add3A_132, %rem3A : vector<1x64xi32>
    %ne3A_153 = arith.constant 0 : i32
    %ne3A_154 = vector.broadcast %ne3A_153 : i32 to vector<1x64xi32>
    %ne3A_155 = arith.cmpi ne, %rem3A_152, %ne3A_154 : vector<1x64xi32>
    %and3A = arith.andi %ne3A_151, %ne3A_155 : vector<1x64xi1>
    %sub3A_156 = arith.constant 1 : i32
    %sub3A_157 = vector.broadcast %sub3A_156 : i32 to vector<1x64xi32>
    %sub3A_158 = arith.subi %div3A_135, %sub3A_157 : vector<1x64xi32>
    %select_n3A_159 = arith.select %and3A, %sub3A_158, %div3A_135 : vector<1x64xi1>, vector<1x64xi32>
    %mul3A = arith.constant 8 : i32
    %mul3A_160 = vector.broadcast %mul3A : i32 to vector<1x64xi32>
    %mul3A_161 = arith.muli %select_n3A_159, %mul3A_160 : vector<1x64xi32>
    %convert_element_type3A_162 = arith.sitofp %mul3A_161 : vector<1x64xi32> to vector<1x64xf32>
    %iota3A_163 = tpu.iota {dimensions = array<i32: 0>} : vector<64x64xi32>
    %iota3A_164 = tpu.iota {dimensions = array<i32: 1>} : vector<64x64xi32>
    %lt3A = arith.cmpi slt, %iota3A_163, %iota3A_164 : vector<64x64xi32>
    %convert_element_type3A_165 = arith.extui %lt3A : vector<64x64xi1> to vector<64x64xi32>
    %convert_element_type3A_166 = arith.sitofp %convert_element_type3A_165 : vector<64x64xi32> to vector<64x64xf32>
    %dot_general3A_167 = arith.constant dense<0.000000e+00> : vector<1x64xf32>
    %dot_general3A_168 = tpu.matmul %convert_element_type3A_162, %convert_element_type3A_166, %dot_general3A_167 {dimension_numbers = #tpu.dot_dimension_numbers<[1], [0], [0], [1], [0, 0, 1, 1], [], []>, transpose_lhs_hint = false} : vector<1x64xf32>, vector<64x64xf32>, vector<1x64xf32> -> vector<1x64xf32>
    %convert_element_type3A_169 = arith.fptosi %dot_general3A_168 : vector<1x64xf32> to vector<1x64xi32>
    %swap3A_170 = arith.constant 0 : index
    %swap3A_171 = arith.constant 0 : index
    %swap3A_172 = vector.load %arg5[%swap3A_170, %swap3A_171] : memref<1x64xi32, #tpu.memory_space<vmem>>, vector<1x64xi32>
    tpu.vector_store %arg5[%swap3A_170, %swap3A_171], %convert_element_type3A_169 {strides = array<i32>} : memref<1x64xi32, #tpu.memory_space<vmem>>, vector<1x64xi32>,
    %add3A_173 = vector.broadcast %dot_general3A_168 : vector<1x64xf32> to vector<4096x64xf32>
    %add3A_174 = arith.addf %concatenate3A, %add3A_173 : vector<4096x64xf32>
    %mul3A_175 = arith.mulf %add3A_174, %convert_element_type3A_24 : vector<4096x64xf32>
    %reduce_sum3A_176 = arith.constant dense<0.000000e+00> : vector<4096xf32>
    %reduce_sum3A_177 = vector.multi_reduction <add>, %mul3A_175, %reduce_sum3A_176 [1] : vector<4096x64xf32> to vector<4096xf32>
    %broadcast_in_dim3A_178 = vector.shape_cast %reduce_sum3A_177 : vector<4096xf32> to vector<4096x1xf32>
    %convert_element_type3A_179 = arith.fptosi %broadcast_in_dim3A_178 : vector<4096x1xf32> to vector<4096x1xi32>
    %swap3A_180 = arith.constant 0 : index
    %swap3A_181 = arith.constant 0 : index
    %swap3A_182 = vector.load %arg3[%swap3A_180, %swap3A_181] : memref<4096x1xi32, #tpu.memory_space<vmem>>, vector<4096x1xi32>
    tpu.vector_store %arg3[%swap3A_180, %swap3A_181], %convert_element_type3A_179 {strides = array<i32>} : memref<4096x1xi32, #tpu.memory_space<vmem>>, vector<4096x1xi32>,
    %reduce_sum3A_183 = arith.constant dense<0.000000e+00> : vector<64xf32>
    %reduce_sum3A_184 = vector.multi_reduction <add>, %div3A_14, %reduce_sum3A_183 [0] : vector<4096x64xf32> to vector<64xf32>
    %broadcast_in_dim3A_185 = vector.shape_cast %reduce_sum3A_184 : vector<64xf32> to vector<1x64xf32>
    %div3A_186 = arith.constant 4.096000e+03 : f32
    %div3A_187 = vector.broadcast %div3A_186 : f32 to vector<1x64xf32>
    %div3A_188 = arith.divf %broadcast_in_dim3A_185, %div3A_187 : vector<1x64xf32>
    %div3A_189 = arith.constant 4.096000e+03 : f32
    %div3A_190 = vector.broadcast %div3A_189 : f32 to vector<1x64xf32>
    %div3A_191 = arith.divf %add3A_125, %div3A_190 : vector<1x64xf32>
    %mul3A_192 = arith.mulf %div3A_191, %div3A_188 : vector<1x64xf32>
    %reduce_sum3A_193 = arith.constant dense<0.000000e+00> : vector<1xf32>
    %reduce_sum3A_194 = vector.multi_reduction <add>, %mul3A_192, %reduce_sum3A_193 [1] : vector<1x64xf32> to vector<1xf32>
    %broadcast_in_dim3A_195 = vector.shape_cast %reduce_sum3A_194 : vector<1xf32> to vector<1x1xf32>
    %mul3A_196 = arith.constant 6.400000e-01 : f32
    %mul3A_197 = vector.broadcast %mul3A_196 : f32 to vector<1x1xf32>
    %mul3A_198 = arith.mulf %mul3A_197, %broadcast_in_dim3A_195 : vector<1x1xf32>
    %swap3A_199 = arith.constant 0 : index
    %swap3A_200 = arith.constant 0 : index
    %swap3A_201 = vector.load %arg6[%swap3A_199, %swap3A_200] : memref<1x1xf32, #tpu.memory_space<vmem>>, vector<1x1xf32>
    tpu.vector_store %arg6[%swap3A_199, %swap3A_200], %mul3A_198 {strides = array<i32>} : memref<1x1xf32, #tpu.memory_space<vmem>>, vector<1x1xf32>,
    return
  }
}

module attributes {stable_mosaic.version = 14 : i64} {
  func.func @_ffn_body(%arg0: i32, %arg1: i32, %arg2: memref<64xi32, #tpu.memory_space<smem>>, %arg3: memref<64xi32, #tpu.memory_space<smem>>, %arg4: memref<4736x768xf32, #tpu.memory_space<vmem>>, %arg5: memref<768x64xf32, #tpu.memory_space<vmem>>, %arg6: memref<1x64xf32, #tpu.memory_space<vmem>>, %arg7: memref<1x768x1024xf32, #tpu.memory_space<vmem>>, %arg8: memref<1x1x1024xf32, #tpu.memory_space<vmem>>, %arg9: memref<1x1024x768xf32, #tpu.memory_space<vmem>>, %arg10: memref<1x1x768xf32, #tpu.memory_space<vmem>>, %arg11: memref<4736x768xf32, #tpu.memory_space<vmem>>) attributes {dimension_semantics = [#tpu.dimension_semantics<arbitrary>, #tpu.dimension_semantics<arbitrary>], iteration_bounds = array<i64: 64, 2>, scalar_prefetch = 2 : i64, scratch_operands = 0 : i64, tpu.core_type = #tpu.core_type<tc>, window_params = [{pipeline_mode = #tpu.pipeline_mode<synchronous>, transform_indices = @transform_0, window_bounds = array<i64: 4736, 768>}, {pipeline_mode = #tpu.pipeline_mode<synchronous>, transform_indices = @transform_1, window_bounds = array<i64: 768, 64>}, {pipeline_mode = #tpu.pipeline_mode<synchronous>, transform_indices = @transform_2, window_bounds = array<i64: 1, 64>}, {transform_indices = @transform_3, window_bounds = array<i64: 1, 768, 1024>}, {transform_indices = @transform_4, window_bounds = array<i64: 1, 1, 1024>}, {transform_indices = @transform_5, window_bounds = array<i64: 1, 1024, 768>}, {transform_indices = @transform_6, window_bounds = array<i64: 1, 1, 768>}, {pipeline_mode = #tpu.pipeline_mode<synchronous>, transform_indices = @transform_7, window_bounds = array<i64: 4736, 768>}]} {
    %get3A = arith.index_cast %arg0 : i32 to index
    %get3A_0 = memref.load %arg2[%get3A] : memref<64xi32, #tpu.memory_space<smem>>
    %get3A_1 = arith.index_cast %arg0 : i32 to index
    %get3A_2 = memref.load %arg3[%get3A_1] : memref<64xi32, #tpu.memory_space<smem>>
    %get3A_3 = arith.constant 0 : index
    %get3A_4 = arith.constant 0 : index
    %get3A_5 = arith.constant 0 : index
    %get3A_6 = vector.load %arg7[%get3A_3, %get3A_4, %get3A_5] : memref<1x768x1024xf32, #tpu.memory_space<vmem>>, vector<1x768x1024xf32>
    %get3A_7 = vector.shape_cast %get3A_6 : vector<1x768x1024xf32> to vector<768x1024xf32>
    %get3A_8 = arith.constant 0 : index
    %get3A_9 = arith.constant 0 : index
    %get3A_10 = arith.constant 0 : index
    %get3A_11 = vector.load %arg8[%get3A_8, %get3A_9, %get3A_10] : memref<1x1x1024xf32, #tpu.memory_space<vmem>>, vector<1x1x1024xf32>
    %get3A_12 = vector.shape_cast %get3A_11 : vector<1x1x1024xf32> to vector<1x1024xf32>
    %get3A_13 = arith.constant 0 : index
    %get3A_14 = arith.constant 0 : index
    %get3A_15 = arith.constant 0 : index
    %get3A_16 = vector.load %arg9[%get3A_13, %get3A_14, %get3A_15] : memref<1x1024x768xf32, #tpu.memory_space<vmem>>, vector<1x1024x768xf32>
    %get3A_17 = vector.shape_cast %get3A_16 : vector<1x1024x768xf32> to vector<1024x768xf32>
    %get3A_18 = arith.constant 0 : index
    %get3A_19 = arith.constant 0 : index
    %get3A_20 = arith.constant 0 : index
    %get3A_21 = vector.load %arg10[%get3A_18, %get3A_19, %get3A_20] : memref<1x1x768xf32, #tpu.memory_space<vmem>>, vector<1x1x768xf32>
    %get3A_22 = vector.shape_cast %get3A_21 : vector<1x1x768xf32> to vector<1x768xf32>
    %add3A = arith.constant 128 : i32
    %add3A_23 = arith.addi %get3A_2, %add3A : i32
    %sub3A = arith.constant 1 : i32
    %sub3A_24 = arith.subi %add3A_23, %sub3A : i32
    %jit3A = arith.constant 128 : i32
    %div3A = arith.divsi %sub3A_24, %jit3A : i32
    %sign3A = arith.constant 0 : i32
    %sign3A_25 = arith.cmpi sgt, %sub3A_24, %sign3A : i32
    %sign3A_26 = arith.extui %sign3A_25 : i1 to i32
    %sign3A_27 = arith.constant 0 : i32
    %sign3A_28 = arith.cmpi slt, %sub3A_24, %sign3A_27 : i32
    %sign3A_29 = arith.extui %sign3A_28 : i1 to i32
    %sign3A_30 = arith.subi %sign3A_26, %sign3A_29 : i32
    %sign3A_31 = arith.constant 0 : i32
    %sign3A_32 = arith.cmpi sgt, %jit3A, %sign3A_31 : i32
    %sign3A_33 = arith.extui %sign3A_32 : i1 to i32
    %sign3A_34 = arith.constant 0 : i32
    %sign3A_35 = arith.cmpi slt, %jit3A, %sign3A_34 : i32
    %sign3A_36 = arith.extui %sign3A_35 : i1 to i32
    %sign3A_37 = arith.subi %sign3A_33, %sign3A_36 : i32
    %ne3A = arith.cmpi ne, %sign3A_30, %sign3A_37 : i32
    %rem3A = arith.remsi %sub3A_24, %jit3A : i32
    %ne3A_38 = arith.constant 0 : i32
    %ne3A_39 = arith.cmpi ne, %rem3A, %ne3A_38 : i32
    %and3A = arith.andi %ne3A, %ne3A_39 : i1
    %sub3A_40 = arith.constant 1 : i32
    %sub3A_41 = arith.subi %div3A, %sub3A_40 : i32
    %select_n3A = arith.select %and3A, %sub3A_41, %div3A : i32
    %while3A = arith.constant 0 : i32
    %while3A_42 = arith.constant 0 : i32
    %while3A_43 = arith.subi %select_n3A, %while3A_42 : i32
    %while3A_44 = arith.addi %while3A_42, %while3A_43 : i32
    %while3A_45 = arith.constant 1 : i32
    %while3A_46 = arith.divsi %while3A_43, %while3A_45 : i32
    %while3A_47 = arith.muli %while3A_46, %while3A_45 : i32
    %while3A_48 = arith.addi %while3A_42, %while3A_47 : i32
    %while3A_49 = arith.constant 1 : i32
    scf.for %while3A_51 = %while3A_42 to %while3A_48 step %while3A_49  : i32 {
      %mul3A = arith.constant 128 : i32
      %mul3A_52 = arith.muli %while3A_51, %mul3A : i32
      %add3A_53 = arith.addi %get3A_0, %mul3A_52 : i32
      %multiple_of3A = tpu.assume_multiple %add3A_53, 8 : i32
      %get3A_54 = arith.index_cast %multiple_of3A : i32 to index
      %get3A_55 = arith.constant 0 : index
      %get3A_56 = vector.load %arg4[%get3A_54, %get3A_55] : memref<4736x768xf32, #tpu.memory_space<vmem>>, vector<128x768xf32>
      %dot_general3A = arith.constant dense<0.000000e+00> : vector<128x1024xf32>
      %dot_general3A_57 = tpu.matmul %get3A_56, %get3A_7, %dot_general3A {dimension_numbers = #tpu.dot_dimension_numbers<[1], [0], [0], [1], [0, 0, 1, 1], [], []>, transpose_lhs_hint = false} : vector<128x768xf32>, vector<768x1024xf32>, vector<128x1024xf32> -> vector<128x1024xf32>
      %add3A_58 = vector.broadcast %get3A_12 : vector<1x1024xf32> to vector<128x1024xf32>
      %add3A_59 = arith.addf %dot_general3A_57, %add3A_58 : vector<128x1024xf32>
      %integer_pow3A = arith.mulf %add3A_59, %add3A_59 : vector<128x1024xf32>
      %integer_pow3A_60 = arith.mulf %add3A_59, %integer_pow3A : vector<128x1024xf32>
      %mul3A_61 = arith.constant 4.471500e-02 : f32
      %mul3A_62 = vector.broadcast %mul3A_61 : f32 to vector<128x1024xf32>
      %mul3A_63 = arith.mulf %mul3A_62, %integer_pow3A_60 : vector<128x1024xf32>
      %add3A_64 = arith.addf %add3A_59, %mul3A_63 : vector<128x1024xf32>
      %mul3A_65 = arith.constant 0.797884583 : f32
      %mul3A_66 = vector.broadcast %mul3A_65 : f32 to vector<128x1024xf32>
      %mul3A_67 = arith.mulf %mul3A_66, %add3A_64 : vector<128x1024xf32>
      %tanh3A = math.tanh %mul3A_67 : vector<128x1024xf32>
      %add3A_68 = arith.constant 1.000000e+00 : f32
      %add3A_69 = vector.broadcast %add3A_68 : f32 to vector<128x1024xf32>
      %add3A_70 = arith.addf %add3A_69, %tanh3A : vector<128x1024xf32>
      %mul3A_71 = arith.constant 5.000000e-01 : f32
      %mul3A_72 = vector.broadcast %mul3A_71 : f32 to vector<128x1024xf32>
      %mul3A_73 = arith.mulf %mul3A_72, %add3A_70 : vector<128x1024xf32>
      %mul3A_74 = arith.mulf %add3A_59, %mul3A_73 : vector<128x1024xf32>
      %dot_general3A_75 = arith.constant dense<0.000000e+00> : vector<128x768xf32>
      %dot_general3A_76 = tpu.matmul %mul3A_74, %get3A_17, %dot_general3A_75 {dimension_numbers = #tpu.dot_dimension_numbers<[1], [0], [0], [1], [0, 0, 1, 1], [], []>, transpose_lhs_hint = false} : vector<128x1024xf32>, vector<1024x768xf32>, vector<128x768xf32> -> vector<128x768xf32>
      %get3A_77 = arith.constant 0 : index
      %get3A_78 = arith.constant 0 : index
      %get3A_79 = vector.load %arg5[%get3A_77, %get3A_78] : memref<768x64xf32, #tpu.memory_space<vmem>>, vector<768x64xf32>
      %dot_general3A_80 = arith.constant dense<0.000000e+00> : vector<128x64xf32>
      %dot_general3A_81 = tpu.matmul %get3A_56, %get3A_79, %dot_general3A_80 {dimension_numbers = #tpu.dot_dimension_numbers<[1], [0], [0], [1], [0, 0, 1, 1], [], []>, transpose_lhs_hint = false} : vector<128x768xf32>, vector<768x64xf32>, vector<128x64xf32> -> vector<128x64xf32>
      %get3A_82 = arith.constant 0 : index
      %get3A_83 = arith.constant 0 : index
      %get3A_84 = vector.load %arg6[%get3A_82, %get3A_83] : memref<1x64xf32, #tpu.memory_space<vmem>>, vector<1x64xf32>
      %add3A_85 = vector.broadcast %get3A_84 : vector<1x64xf32> to vector<128x64xf32>
      %add3A_86 = arith.addf %dot_general3A_81, %add3A_85 : vector<128x64xf32>
      %reduce_max3A = arith.constant dense<0xFF800000> : vector<128xf32>
      %reduce_max3A_87 = vector.multi_reduction <maximumf>, %add3A_86, %reduce_max3A [1] : vector<128x64xf32> to vector<128xf32>
      %broadcast_in_dim3A = vector.shape_cast %reduce_max3A_87 : vector<128xf32> to vector<128x1xf32>
      %sub3A_88 = vector.broadcast %broadcast_in_dim3A : vector<128x1xf32> to vector<128x64xf32>
      %sub3A_89 = arith.subf %add3A_86, %sub3A_88 : vector<128x64xf32>
      %exp3A = math.exp %sub3A_89 : vector<128x64xf32>
      %reduce_sum3A = arith.constant dense<0.000000e+00> : vector<128xf32>
      %reduce_sum3A_90 = vector.multi_reduction <add>, %exp3A, %reduce_sum3A [1] : vector<128x64xf32> to vector<128xf32>
      %broadcast_in_dim3A_91 = vector.shape_cast %reduce_sum3A_90 : vector<128xf32> to vector<128x1xf32>
      %div3A_92 = arith.constant 1.000000e+00 : f32
      %div3A_93 = vector.broadcast %div3A_92 : f32 to vector<128x1xf32>
      %div3A_94 = arith.divf %div3A_93, %broadcast_in_dim3A_91 : vector<128x1xf32>
      %eq3A = arith.constant 0 : i32
      %eq3A_95 = arith.cmpi eq, %arg1, %eq3A : i32
      %convert_element_type3A = arith.extui %eq3A_95 : i1 to i32
      %cond3A = arith.constant 0 : i32
      %cond3A_96 = arith.cmpi ne, %convert_element_type3A, %cond3A : i32
      scf.if %cond3A_96 {
        %add3A_102 = vector.broadcast %get3A_22 : vector<1x768xf32> to vector<128x768xf32>
        %add3A_103 = arith.addf %dot_general3A_76, %add3A_102 : vector<128x768xf32>
        %mul3A_104 = vector.broadcast %div3A_94 : vector<128x1xf32> to vector<128x768xf32>
        %mul3A_105 = arith.mulf %mul3A_104, %add3A_103 : vector<128x768xf32>
        %add3A_106 = arith.addf %get3A_56, %mul3A_105 : vector<128x768xf32>
        %swap3A = arith.index_cast %multiple_of3A : i32 to index
        %swap3A_107 = arith.constant 0 : index
        %swap3A_108 = vector.load %arg11[%swap3A, %swap3A_107] : memref<4736x768xf32, #tpu.memory_space<vmem>>, vector<128x768xf32>
        tpu.vector_store %arg11[%swap3A, %swap3A_107], %add3A_106 {strides = array<i32>} : memref<4736x768xf32, #tpu.memory_space<vmem>>, vector<128x768xf32>,
      } else {
      }
      %ne3A_97 = arith.constant 0 : i32
      %ne3A_98 = arith.cmpi ne, %arg1, %ne3A_97 : i32
      %convert_element_type3A_99 = arith.extui %ne3A_98 : i1 to i32
      %cond3A_100 = arith.constant 0 : i32
      %cond3A_101 = arith.cmpi ne, %convert_element_type3A_99, %cond3A_100 : i32
      scf.if %cond3A_101 {
        %get3A_102 = arith.index_cast %multiple_of3A : i32 to index
        %get3A_103 = arith.constant 0 : index
        %get3A_104 = vector.load %arg11[%get3A_102, %get3A_103] : memref<4736x768xf32, #tpu.memory_space<vmem>>, vector<128x768xf32>
        %mul3A_105 = vector.broadcast %div3A_94 : vector<128x1xf32> to vector<128x768xf32>
        %mul3A_106 = arith.mulf %mul3A_105, %dot_general3A_76 : vector<128x768xf32>
        %add3A_107 = arith.addf %get3A_104, %mul3A_106 : vector<128x768xf32>
        %swap3A = arith.index_cast %multiple_of3A : i32 to index
        %swap3A_108 = arith.constant 0 : index
        %swap3A_109 = vector.load %arg11[%swap3A, %swap3A_108] : memref<4736x768xf32, #tpu.memory_space<vmem>>, vector<128x768xf32>
        tpu.vector_store %arg11[%swap3A, %swap3A_108], %add3A_107 {strides = array<i32>} : memref<4736x768xf32, #tpu.memory_space<vmem>>, vector<128x768xf32>,
      } else {
      }
    }
    %while3A_50 = arith.constant 1 : i32
    scf.for %while3A_51 = %while3A_48 to %while3A_44 step %while3A_50  : i32 {
      %mul3A = arith.constant 128 : i32
      %mul3A_52 = arith.muli %while3A_51, %mul3A : i32
      %add3A_53 = arith.addi %get3A_0, %mul3A_52 : i32
      %multiple_of3A = tpu.assume_multiple %add3A_53, 8 : i32
      %get3A_54 = arith.index_cast %multiple_of3A : i32 to index
      %get3A_55 = arith.constant 0 : index
      %get3A_56 = vector.load %arg4[%get3A_54, %get3A_55] : memref<4736x768xf32, #tpu.memory_space<vmem>>, vector<128x768xf32>
      %dot_general3A = arith.constant dense<0.000000e+00> : vector<128x1024xf32>
      %dot_general3A_57 = tpu.matmul %get3A_56, %get3A_7, %dot_general3A {dimension_numbers = #tpu.dot_dimension_numbers<[1], [0], [0], [1], [0, 0, 1, 1], [], []>, transpose_lhs_hint = false} : vector<128x768xf32>, vector<768x1024xf32>, vector<128x1024xf32> -> vector<128x1024xf32>
      %add3A_58 = vector.broadcast %get3A_12 : vector<1x1024xf32> to vector<128x1024xf32>
      %add3A_59 = arith.addf %dot_general3A_57, %add3A_58 : vector<128x1024xf32>
      %integer_pow3A = arith.mulf %add3A_59, %add3A_59 : vector<128x1024xf32>
      %integer_pow3A_60 = arith.mulf %add3A_59, %integer_pow3A : vector<128x1024xf32>
      %mul3A_61 = arith.constant 4.471500e-02 : f32
      %mul3A_62 = vector.broadcast %mul3A_61 : f32 to vector<128x1024xf32>
      %mul3A_63 = arith.mulf %mul3A_62, %integer_pow3A_60 : vector<128x1024xf32>
      %add3A_64 = arith.addf %add3A_59, %mul3A_63 : vector<128x1024xf32>
      %mul3A_65 = arith.constant 0.797884583 : f32
      %mul3A_66 = vector.broadcast %mul3A_65 : f32 to vector<128x1024xf32>
      %mul3A_67 = arith.mulf %mul3A_66, %add3A_64 : vector<128x1024xf32>
      %tanh3A = math.tanh %mul3A_67 : vector<128x1024xf32>
      %add3A_68 = arith.constant 1.000000e+00 : f32
      %add3A_69 = vector.broadcast %add3A_68 : f32 to vector<128x1024xf32>
      %add3A_70 = arith.addf %add3A_69, %tanh3A : vector<128x1024xf32>
      %mul3A_71 = arith.constant 5.000000e-01 : f32
      %mul3A_72 = vector.broadcast %mul3A_71 : f32 to vector<128x1024xf32>
      %mul3A_73 = arith.mulf %mul3A_72, %add3A_70 : vector<128x1024xf32>
      %mul3A_74 = arith.mulf %add3A_59, %mul3A_73 : vector<128x1024xf32>
      %dot_general3A_75 = arith.constant dense<0.000000e+00> : vector<128x768xf32>
      %dot_general3A_76 = tpu.matmul %mul3A_74, %get3A_17, %dot_general3A_75 {dimension_numbers = #tpu.dot_dimension_numbers<[1], [0], [0], [1], [0, 0, 1, 1], [], []>, transpose_lhs_hint = false} : vector<128x1024xf32>, vector<1024x768xf32>, vector<128x768xf32> -> vector<128x768xf32>
      %get3A_77 = arith.constant 0 : index
      %get3A_78 = arith.constant 0 : index
      %get3A_79 = vector.load %arg5[%get3A_77, %get3A_78] : memref<768x64xf32, #tpu.memory_space<vmem>>, vector<768x64xf32>
      %dot_general3A_80 = arith.constant dense<0.000000e+00> : vector<128x64xf32>
      %dot_general3A_81 = tpu.matmul %get3A_56, %get3A_79, %dot_general3A_80 {dimension_numbers = #tpu.dot_dimension_numbers<[1], [0], [0], [1], [0, 0, 1, 1], [], []>, transpose_lhs_hint = false} : vector<128x768xf32>, vector<768x64xf32>, vector<128x64xf32> -> vector<128x64xf32>
      %get3A_82 = arith.constant 0 : index
      %get3A_83 = arith.constant 0 : index
      %get3A_84 = vector.load %arg6[%get3A_82, %get3A_83] : memref<1x64xf32, #tpu.memory_space<vmem>>, vector<1x64xf32>
      %add3A_85 = vector.broadcast %get3A_84 : vector<1x64xf32> to vector<128x64xf32>
      %add3A_86 = arith.addf %dot_general3A_81, %add3A_85 : vector<128x64xf32>
      %reduce_max3A = arith.constant dense<0xFF800000> : vector<128xf32>
      %reduce_max3A_87 = vector.multi_reduction <maximumf>, %add3A_86, %reduce_max3A [1] : vector<128x64xf32> to vector<128xf32>
      %broadcast_in_dim3A = vector.shape_cast %reduce_max3A_87 : vector<128xf32> to vector<128x1xf32>
      %sub3A_88 = vector.broadcast %broadcast_in_dim3A : vector<128x1xf32> to vector<128x64xf32>
      %sub3A_89 = arith.subf %add3A_86, %sub3A_88 : vector<128x64xf32>
      %exp3A = math.exp %sub3A_89 : vector<128x64xf32>
      %reduce_sum3A = arith.constant dense<0.000000e+00> : vector<128xf32>
      %reduce_sum3A_90 = vector.multi_reduction <add>, %exp3A, %reduce_sum3A [1] : vector<128x64xf32> to vector<128xf32>
      %broadcast_in_dim3A_91 = vector.shape_cast %reduce_sum3A_90 : vector<128xf32> to vector<128x1xf32>
      %div3A_92 = arith.constant 1.000000e+00 : f32
      %div3A_93 = vector.broadcast %div3A_92 : f32 to vector<128x1xf32>
      %div3A_94 = arith.divf %div3A_93, %broadcast_in_dim3A_91 : vector<128x1xf32>
      %eq3A = arith.constant 0 : i32
      %eq3A_95 = arith.cmpi eq, %arg1, %eq3A : i32
      %convert_element_type3A = arith.extui %eq3A_95 : i1 to i32
      %cond3A = arith.constant 0 : i32
      %cond3A_96 = arith.cmpi ne, %convert_element_type3A, %cond3A : i32
      scf.if %cond3A_96 {
        %add3A_102 = vector.broadcast %get3A_22 : vector<1x768xf32> to vector<128x768xf32>
        %add3A_103 = arith.addf %dot_general3A_76, %add3A_102 : vector<128x768xf32>
        %mul3A_104 = vector.broadcast %div3A_94 : vector<128x1xf32> to vector<128x768xf32>
        %mul3A_105 = arith.mulf %mul3A_104, %add3A_103 : vector<128x768xf32>
        %add3A_106 = arith.addf %get3A_56, %mul3A_105 : vector<128x768xf32>
        %swap3A = arith.index_cast %multiple_of3A : i32 to index
        %swap3A_107 = arith.constant 0 : index
        %swap3A_108 = vector.load %arg11[%swap3A, %swap3A_107] : memref<4736x768xf32, #tpu.memory_space<vmem>>, vector<128x768xf32>
        tpu.vector_store %arg11[%swap3A, %swap3A_107], %add3A_106 {strides = array<i32>} : memref<4736x768xf32, #tpu.memory_space<vmem>>, vector<128x768xf32>,
      } else {
      }
      %ne3A_97 = arith.constant 0 : i32
      %ne3A_98 = arith.cmpi ne, %arg1, %ne3A_97 : i32
      %convert_element_type3A_99 = arith.extui %ne3A_98 : i1 to i32
      %cond3A_100 = arith.constant 0 : i32
      %cond3A_101 = arith.cmpi ne, %convert_element_type3A_99, %cond3A_100 : i32
      scf.if %cond3A_101 {
        %get3A_102 = arith.index_cast %multiple_of3A : i32 to index
        %get3A_103 = arith.constant 0 : index
        %get3A_104 = vector.load %arg11[%get3A_102, %get3A_103] : memref<4736x768xf32, #tpu.memory_space<vmem>>, vector<128x768xf32>
        %mul3A_105 = vector.broadcast %div3A_94 : vector<128x1xf32> to vector<128x768xf32>
        %mul3A_106 = arith.mulf %mul3A_105, %dot_general3A_76 : vector<128x768xf32>
        %add3A_107 = arith.addf %get3A_104, %mul3A_106 : vector<128x768xf32>
        %swap3A = arith.index_cast %multiple_of3A : i32 to index
        %swap3A_108 = arith.constant 0 : index
        %swap3A_109 = vector.load %arg11[%swap3A, %swap3A_108] : memref<4736x768xf32, #tpu.memory_space<vmem>>, vector<128x768xf32>
        tpu.vector_store %arg11[%swap3A, %swap3A_108], %add3A_107 {strides = array<i32>} : memref<4736x768xf32, #tpu.memory_space<vmem>>, vector<128x768xf32>,
      } else {
      }
    }
    return
  }
  func.func @transform_0(%arg0: i32, %arg1: i32, %arg2: memref<64xi32, #tpu.memory_space<smem>>, %arg3: memref<64xi32, #tpu.memory_space<smem>>) -> (i32, i32) {
    %c0_i32 = arith.constant 0 : i32
    %c0_i32_0 = arith.constant 0 : i32
    %c0_i32_1 = arith.constant 0 : i32
    return %c0_i32, %c0_i32_0 : i32, i32
  }
  func.func @transform_1(%arg0: i32, %arg1: i32, %arg2: memref<64xi32, #tpu.memory_space<smem>>, %arg3: memref<64xi32, #tpu.memory_space<smem>>) -> (i32, i32) {
    %c0_i32 = arith.constant 0 : i32
    %c0_i32_0 = arith.constant 0 : i32
    %c0_i32_1 = arith.constant 0 : i32
    return %c0_i32, %c0_i32_0 : i32, i32
  }
  func.func @transform_2(%arg0: i32, %arg1: i32, %arg2: memref<64xi32, #tpu.memory_space<smem>>, %arg3: memref<64xi32, #tpu.memory_space<smem>>) -> (i32, i32) {
    %c0_i32 = arith.constant 0 : i32
    %c0_i32_0 = arith.constant 0 : i32
    %c0_i32_1 = arith.constant 0 : i32
    return %c0_i32, %c0_i32_0 : i32, i32
  }
  func.func @transform_3(%arg0: i32, %arg1: i32, %arg2: memref<64xi32, #tpu.memory_space<smem>>, %arg3: memref<64xi32, #tpu.memory_space<smem>>) -> (i32, i32, i32) {
    %c0_i32 = arith.constant 0 : i32
    %c0_i32_0 = arith.constant 0 : i32
    return %arg0, %c0_i32, %arg1 : i32, i32, i32
  }
  func.func @transform_4(%arg0: i32, %arg1: i32, %arg2: memref<64xi32, #tpu.memory_space<smem>>, %arg3: memref<64xi32, #tpu.memory_space<smem>>) -> (i32, i32, i32) {
    %c0_i32 = arith.constant 0 : i32
    %c0_i32_0 = arith.constant 0 : i32
    return %arg0, %c0_i32, %arg1 : i32, i32, i32
  }
  func.func @transform_5(%arg0: i32, %arg1: i32, %arg2: memref<64xi32, #tpu.memory_space<smem>>, %arg3: memref<64xi32, #tpu.memory_space<smem>>) -> (i32, i32, i32) {
    %c0_i32 = arith.constant 0 : i32
    %c0_i32_0 = arith.constant 0 : i32
    return %arg0, %arg1, %c0_i32 : i32, i32, i32
  }
  func.func @transform_6(%arg0: i32, %arg1: i32, %arg2: memref<64xi32, #tpu.memory_space<smem>>, %arg3: memref<64xi32, #tpu.memory_space<smem>>) -> (i32, i32, i32) {
    %c0_i32 = arith.constant 0 : i32
    %c0_i32_0 = arith.constant 0 : i32
    %c0_i32_1 = arith.constant 0 : i32
    return %arg0, %c0_i32, %c0_i32_0 : i32, i32, i32
  }
  func.func @transform_7(%arg0: i32, %arg1: i32, %arg2: memref<64xi32, #tpu.memory_space<smem>>, %arg3: memref<64xi32, #tpu.memory_space<smem>>) -> (i32, i32) {
    %c0_i32 = arith.constant 0 : i32
    %c0_i32_0 = arith.constant 0 : i32
    %c0_i32_1 = arith.constant 0 : i32
    return %c0_i32, %c0_i32_0 : i32, i32
  }
}

</mosaic_0001>

<sc_bundles>
// kernel: kernel.6.cloned.1.call-start
scs
__scs_entry_jumppad:
0x0: {  	(pc) =	sbr.rel $0x88, $3  }
0x1: {  	(tag) =	ssettag $0x0;
	lr =	simm.s32 $0x1  }
0x2: {  	[smem:$0x3F9A] =	sst lr;
	_ =	strace $0xD0000000  }
0x3: {  	_ = 	snop  }
0x4: {  	_ = 	snop  }
0x5: {  	_ = 	snop  }
0x6: {  	_ = 	snop  }
0x7: {  	_ = 	snop  }
__scs_overlays_trampoline_lowered:
0x8: {  	[smem:$0x3FA9] =	sst s0  }
0x9: {  	[smem:$0x3FAA] =	sst s1  }
0xa: {  	[smem:$0x3FAB] =	sst s2  }
0xb: {  	[smem:$0x3FAC] =	sst s3  }
0xc: {  	[smem:$0x3FAD] =	sst s4  }
0xd: {  	[smem:$0x3FAE] =	sst s5  }
0xe: {  	[smem:$0x3FAF] =	sst s6  }
0xf: {  	[smem:$0x3FB0] =	sst s7  }
0x10: {  	[smem:$0x3FB1] =	sst s8  }
0x11: {  	[smem:$0x3FB2] =	sst s9;
	s0 =	simm.s32 @!p0 $0x0  }
0x12: {  	s1 =	sld [smem:$0x3F98];
	s0 =	simm.s32 @p0 $0x1  }
0x13: {  	[smem:$0x3FB3] =	sst s0;
	s0 =	simm.s32 @!p1 $0x0  }
0x14: {  	s2 =	sld [smem:$0x3F97];
	s0 =	simm.s32 @p1 $0x1  }
0x15: {  	[smem:$0x3FB4] =	sst s0;
	s0 =	simm.s32 @!p2 $0x0  }
0x16: {  	s3 =	sld [smem:$0x3FDB];
	s0 =	simm.s32 @p2 $0x1  }
0x17: {  	s4 =	simm.s32 $0x1BF5;
	[smem:$0x3FB6] =	sst s0  }
0x18: {  	s0 =	sld [smem:$0x3F99];
	_ =	swait.ge [sflag:s4], $0x0  }
0x19: {  	s7 =	sld [smem:$0x3F9A]  }
0x1a: {  	s8 =	sadd.s32 $0xFFFFE003, lr  }
0x1b: {  	s9 =	sadd.s32 $0xFFFFFEF7, lr;
	s5 =	simm.s32 $0xFFFFFFFF;
	p2 =	slt.u32 s8, $0xFFFFF086  }
0x1c: {  	p1 =	slt.u32 s9, $0xF7A;
	s5 =	simm.s32 @!p2 $0x0  }
0x1d: {  	s5 =	simm.s32 @p1 $0x1;
	p0 =	seq.s32 s7, s2  }
0x1e: {  	s7 =	smul.u32 @!p0 $0xF7A, s2;
	p2 =	seq.s32 @!p0 s5, $0x0  }
0x1f: {  	s9 =	smul.u32 $0xF7A, s1;
	s8 =	simm.s32 @!p0 $0x1BF5;
	p2 =	por !p2, p0  }
0x20: {  	[sflag:s8] =	ssyncset.s32 @!p0 $0xFFFFF086;
	s6 =	sadd.s32 @!p0 s3, s7;
	s7 =	simm.s32 @!p0 $0x108  }
0x21: {  	s3 =	sadd.s32 s3, s9;
	s6 =	sadd.s32 @!p0 $0x88, s6;
	s7 =	simm.s32 @p2 $0x1082  }
0x22: {  	[simem:s7], [sflag:s8] =	dma.local @!p0 [hbm:s6], $0xF7A  }
0x23: {  	s9 =	sor.u32 $0xD0000000, s2;
	s6 =	simm.s32 $0x108;
	_ =	swait.ge @!p0 [sflag:s8], $0x0  }
0x24: {  	s3 =	sadd.s32 $0x88, s3;
	s6 =	simm.s32 @!p1 $0x1082;
	[sflag:s4] =	ssyncset.s32 $0xFFFFF086  }
0x25: {  	[simem:s6], [sflag:s4] =	dma.local [hbm:s3], $0xF7A  }
0x26: {  	[smem:$0x3F9A] =	sst s1;
	(tag) =	ssettag s2;
	_ =	strace s9  }
0x27: {  	s1 =	sld [smem:$0x3FAA]  }
0x28: {  	s2 =	sld [smem:$0x3FAB]  }
0x29: {  	s4 =	sld [smem:$0x3FAD]  }
0x2a: {  	p0 =	seq.s32 s5, $0x0;
	s5 =	sld [smem:$0x3FAE]  }
0x2b: {  	s6 =	sld [smem:$0x3FAF]  }
0x2c: {  	s7 =	sld [smem:$0x3FB0]  }
0x2d: {  	s3 =	simm.s32 $0x108;
	s8 =	sld [smem:$0x3FB1]  }
0x2e: {  	s3 =	simm.s32 @!p0 $0x1082;
	s9 =	sld [smem:$0x3FB2]  }
0x2f: {  	lr =	sadd.s32 s0, s3;
	s0 =	sld [smem:$0x3FA9]  }
0x30: {  	s3 =	sld [smem:$0x3FAC]  }
0x31: {  	[smem:$0x3FB5] =	sst s10  }
0x32: {  	s10 =	sld [smem:$0x3FB3];
	_ =	sdelay $0x3  }
0x33: {  	p0 =	seq.s32 s10, $0x1;
	s10 =	sld [smem:$0x3FB5];
	_ =	sdelay $0x3  }
0x34: {  	[smem:$0x3FB5] =	sst s10  }
0x35: {  	s10 =	sld [smem:$0x3FB4];
	_ =	sdelay $0x3  }
0x36: {  	p1 =	seq.s32 s10, $0x1;
	s10 =	sld [smem:$0x3FB5];
	_ =	sdelay $0x3  }
0x37: {  	[smem:$0x3FB5] =	sst s10  }
0x38: {  	s10 =	sld [smem:$0x3FB6]  }
0x39: {  	_ = 	snop;
	(pc) =	sbr.ind lr, $3  }
0x3a: {  	_ = 	snop  }
0x3b: {  	_ = 	snop  }
0x3c: {  	p2 =	seq.s32 s10, $0x1;
	s10 =	sld [smem:$0x3FB5]  }
0x3d: {  	_ =	shalt  }
0x3e: {  	_ =	shalt  }
0x3f: {  	_ =	shalt  }
0x40: {  	_ =	shalt  }
0x41: {  	_ =	shalt  }
0x42: {  	_ =	shalt  }
0x43: {  	_ =	shalt  }
0x44: {  	_ =	shalt  }
0x45: {  	_ =	shalt  }
0x46: {  	_ =	shalt  }
0x47: {  	_ =	shalt  }
0x48: {  	_ =	shalt  }
0x49: {  	_ =	shalt  }
0x4a: {  	_ =	shalt  }
0x4b: {  	_ =	shalt  }
0x4c: {  	_ =	shalt  }
0x4d: {  	_ =	shalt  }
0x4e: {  	_ =	shalt  }
0x4f: {  	_ =	shalt  }
0x50: {  	_ =	shalt  }
0x51: {  	_ =	shalt  }
0x52: {  	_ =	shalt  }
0x53: {  	_ =	shalt  }
0x54: {  	_ =	shalt  }
0x55: {  	_ =	shalt  }
0x56: {  	_ =	shalt  }
0x57: {  	_ =	shalt  }
0x58: {  	_ =	shalt  }
0x59: {  	_ =	shalt  }
0x5a: {  	_ =	shalt  }
0x5b: {  	_ =	shalt  }
0x5c: {  	_ =	shalt  }
0x5d: {  	_ =	shalt  }
0x5e: {  	_ =	shalt  }
0x5f: {  	_ =	shalt  }
0x60: {  	_ =	shalt  }
0x61: {  	_ =	shalt  }
0x62: {  	_ =	shalt  }
0x63: {  	_ =	shalt  }
0x64: {  	_ =	shalt  }
0x65: {  	_ =	shalt  }
0x66: {  	_ =	shalt  }
0x67: {  	_ =	shalt  }
0x68: {  	_ =	shalt  }
0x69: {  	_ =	shalt  }
0x6a: {  	_ =	shalt  }
0x6b: {  	_ =	shalt  }
0x6c: {  	_ =	shalt  }
0x6d: {  	_ =	shalt  }
0x6e: {  	_ =	shalt  }
0x6f: {  	_ =	shalt  }
0x70: {  	_ =	shalt  }
0x71: {  	_ =	shalt  }
0x72: {  	_ =	shalt  }
0x73: {  	_ =	shalt  }
0x74: {  	_ =	shalt  }
0x75: {  	_ =	shalt  }
0x76: {  	_ =	shalt  }
0x77: {  	_ =	shalt  }
0x78: {  	_ =	shalt  }
0x79: {  	_ =	shalt  }
0x7a: {  	_ =	shalt  }
0x7b: {  	_ =	shalt  }
0x7c: {  	_ =	shalt  }
0x7d: {  	_ =	shalt  }
0x7e: {  	_ =	shalt  }
0x7f: {  	_ =	shalt  }
0x80: {  	_ =	shalt  }
0x81: {  	_ =	shalt  }
0x82: {  	_ =	shalt  }
0x83: {  	_ =	shalt  }
0x84: {  	_ =	shalt  }
0x85: {  	_ =	shalt  }
0x86: {  	_ =	shalt  }
0x87: {  	_ =	shalt  }
.Lfunc_end0:
.L_simem_size_0:
called_computation_lowered:
.L_overlay_start_0:
0x88: {  	s2 =	sld [smem:$0x3FD9]  }
0x89: {  	s3 =	sld [smem:$0x3FFE];
	_ =	sdelay $0x1  }
0x8a: {  	s1 =	srdreg.scid  }
0x8b: {  	s0 =	sand.u32 $0x1, s1  }
0x8c: {  	s17 =	sshll.u32 s0, $0xA;
	s2 =	sadd.s32 s3, s2  }
0x8d: {  	s2 =	sadd.s32 s2, s17  }
0x8e: {  	[smem:$0x3FC1] =	sst s2  }
0x8f: {  	_ = 	snop  }
0x90: {  	s2 =	sld [smem:$0x3FC9];
	(tm) =	ssettm $0x1  }
0x91: {  	s18 =	sld [smem:$0x3FFB];
	_ =	sdelay $0x3  }
0x92: {  	_ =	strace s18  }
0x93: {  	s3 =	sld [smem:$0x3FFC];
	_ =	sdelay $0x3  }
0x94: {  	_ =	strace s3  }
0x95: {  	s3 =	sld [smem:$0x3FFD];
	_ =	sdelay $0x3  }
0x96: {  	_ =	strace s3  }
0x97: {  	_ =	strace $0x8FFFFFFF  }
0x98: {  	s19 =	sld [smem:$0x3FDB];
	_ =	sdelay $0x1  }
0x99: {  	s4 =	simm.s32 $_scs_section_size  }
0x9a: {  	s5 =	simm.s32 $_size__tile_overlayer_lowered;
	s6 =	simm.s32 $_tile_overlayer_lowered  }
0x9b: {  	s22 =	simm.s32 $0x1BFF;
	s21 =	sshll.u32 s6, $0x1;
	s3 =	sadd.s32 s4, s19  }
0x9c: {  	s7 =	simm.s32 $0x0;
	s20 =	sshll.u32 s5, $0x1;
	s5 =	sadd.s32 s21, s3  }
0x9d: {  	[timem:s7], [sflag:s22] =	dma.local [hbm:s5], s20  }
0x9e: {  	_ =	swait.ge [sflag:s22], s20  }
0x9f: {  	s4 =	ssub.s32 $0x0, s20;
	[sflag:s22] =	ssyncset.done $0x0  }
0xa0: {  	[sflag:s22] =	ssyncadd.s32 s4;
	_ =	sdelay $0x1  }
0xa1: {  	s23 =	simm.s32 $0x1B8B  }
0xa2: {  	_ =	swait.ge [sflag:s23], $0x1  }
0xa3: {  	[sflag:s23] =	ssyncset.done $0x0  }
0xa4: {  	s25 =	simm.s32 $0x1B8E;
	s24 =	sld [smem:$0x3FFE];
	[sflag:s23] =	ssyncadd.s32 $0xFFFFFFFF  }
0xa5: {  	s26 =	simm.s32 $execute0_lowered;
	[smem:$0x3FD2] =	sst s25  }
0xa6: {  	s5 =	sshll.u32 s26, $0x1;
	_ =	strace $0x80000046;
	[dreg:$0x1] =	wrdreg $0xFFFFFFFF  }
0xa7: {  	s28 =	simm.s32 $_size_execute0_lowered;
	s3 =	sadd.s32 s3, s5;
	[dreg:$0x0] =	wrdreg $0x0  }
0xa8: {  	s5 =	sshll.u32 s28, $0x1;
	[dreg:$0x2] =	wrdreg s3  }
0xa9: {  	[dreg:$0x3] =	wrdreg s5  }
0xaa: {  	[dreg:$0x4] =	wrdreg $0xC0  }
0xab: {  	_ =	task [dreg:s7], $0x5FFFF  }
0xac: {  	[dreg:$0x1] =	wrdreg $0xFFFFFFFF  }
0xad: {  	[dreg:$0x0] =	wrdreg $0x60  }
0xae: {  	[dreg:$0x2] =	wrdreg s2  }
0xaf: {  	[dreg:$0x3] =	wrdreg s24  }
0xb0: {  	[dreg:$0x4] =	wrdreg $0x9  }
0xb1: {  	_ =	task.clear_ibuf [dreg:s7], $0x5FFFF;
	_ =	strace $0x90000046  }
0xb2: {  	s29 =	simm.s32 $0x9;
	_ =	strace $0x80000048  }
0xb3: {  	_ =	swait.ge [sflag:s29], $0x1  }
0xb4: {  	[sflag:s29] =	ssyncadd.s32 $0xFFFFFFFF  }
0xb5: {  	_ =	strace $0x90000048  }
0xb6: {  	_ =	sfence  }
0xb7: {  	s30 =	sld [smem:$0x0];
	_ =	sdelay $0x2  }
0xb8: {  	s31 =	sshll.u32 s1, $0xD;
	s1 =	sshrl.u32 s1, $0x2  }
0xb9: {  	s3 =	sand.u32 $0x4000, s31;
	s1 =	sadd.s32 s1, s30  }
0xba: {  	s0 =	sor.u32 s3, s0;
	s1 =	sshll.u32 s1, $0x11  }
0xbb: {  	s0 =	sor.u32 s1, s0  }
0xbc: {  	s0 =	sadd.s32 $0x8F2B, s0  }
0xbd: {  	[sflag:s0] =	ssyncadd.remote.s32 $0x1  }
0xbe: {  	_ =	sfence.sel $0xFFFF  }
0xbf: {  	[dreg:$0x0] =	wrdreg $0xFFFFFFFF;
	(pc) =	sbr.abs _section_cstart, $3  }
0xc0: {  	[dreg:$0x1] =	wrdreg $0xFFFFFFFF  }
0xc1: {  	_ =	task.clear_ibuf [dreg:s7], $0x2FFFF;
	_ =	strace $0x9FFFFFFF  }
0xc2: {  	(tm) =	ssettm $0x7FFFFFFF  }
0xc3: {  	_ =	shalt  }
tec
execute0_lowered:
.L_overlay_start_1:
0x0: {  	(tag) =	ssettag $0x1  }
0x1: {  	s3 =	rddreg [dreg:$0x0]  }
0x2: {  	s0 =	rddreg [dreg:$0x1];
	s2 =	simm.s32 $0x0  }
0x3: {  	s22 =	simm.s32 $0x80;
	[smem:$0x7FF] =	sst s2  }
0x4: {  	s23 =	simm.s32 $0x900;
	_ =	strace $0x80000047;
	[dreg:$0x7] =	wrdreg s22  }
0x5: {  	s24 =	simm.s32 $0x1100;
	[dreg:$0x8] =	wrdreg s23  }
0x6: {  	s25 =	simm.s32 $0x1900;
	[dreg:$0x9] =	wrdreg s24  }
0x7: {  	s1 =	stileid.u32;
	s26 =	simm.s32 $0x2100;
	[dreg:$0xa] =	wrdreg s25  }
0x8: {  	s5 =	sshll.u32 s1, $0x5;
	s1 =	simm.s32 $0x2900;
	[dreg:$0xb] =	wrdreg s26  }
0x9: {  	s9 =	simm.s32 $0x5100;
	[dreg:$0xc] =	wrdreg s1  }
0xa: {  	s4 =	srdreg.scid;
	s10 =	simm.s32 $0x5900;
	[dreg:$0x11] =	wrdreg s9  }
0xb: {  	s11 =	simm.s32 $0x6100;
	s12 =	simm.s32 $0x6900;
	[dreg:$0x12] =	wrdreg s10  }
0xc: {  	s13 =	simm.s32 $0x7100;
	s14 =	simm.s32 $0x7900;
	[dreg:$0x13] =	wrdreg s11  }
0xd: {  	s15 =	simm.s32 $0x8100;
	s16 =	simm.s32 $0x8900;
	[dreg:$0x14] =	wrdreg s12  }
0xe: {  	s17 =	simm.s32 $0x9100;
	s18 =	simm.s32 $0x9900;
	[dreg:$0x15] =	wrdreg s13  }
0xf: {  	s28 =	simm.s32 $0x16100;
	s29 =	simm.s32 $0x16900;
	[dreg:$0x16] =	wrdreg s14  }
0x10: {  	s30 =	simm.s32 $0x17100;
	s31 =	simm.s32 $0x17900;
	[dreg:$0x17] =	wrdreg s15  }
0x11: {  	s4 =	sand.u32 $0x1, s4;
	s7 =	sadd.s32 $0x4800, s0;
	[dreg:$0x18] =	wrdreg s16  }
0x12: {  	s6 =	sshll.u32 s4, $0x4;
	s4 =	ssub.s32 $0x2, s4;
	[dreg:$0x19] =	wrdreg s17  }
0x13: {  	[dreg:$0x1a] =	wrdreg s18;
	s22 =	simm.s32 $0xB100;
	s23 =	simm.s32 $0xB900  }
0x14: {  	s24 =	simm.s32 $0xC900;
	s25 =	simm.s32 $0xD100;
	s26 =	simm.s32 $0xD900  }
0x15: {  	s9 =	simm.s32 $0x1;
	s10 =	simm.s32 $0x2;
	[dreg:$0x1d] =	wrdreg s22  }
0x16: {  	s13 =	simm.s32 $0xF100;
	s14 =	simm.s32 $0xF900;
	[dreg:$0x1e] =	wrdreg s23  }
0x17: {  	s15 =	simm.s32 $0x10100;
	s16 =	simm.s32 $0x10900;
	[dreg:$0x1f] =	wrdreg s24  }
0x18: {  	s17 =	simm.s32 $0x11100;
	s18 =	simm.s32 $0x11900;
	[smem:$0x7FC] =	sst s25  }
0x19: {  	s5 =	sor.u32 s6, s5;
	s19 =	sshrl.u32 s4, $0x1;
	[smem:$0x7FD] =	sst s26  }
0x1a: {  	s22 =	simm.s32 $0x13900;
	s23 =	simm.s32 $0x14100;
	s24 =	simm.s32 $0x14900  }
0x1b: {  	s25 =	simm.s32 $0x15100;
	s6 =	sadd.s32 s7, s5;
	s8 =	sor.u32 $0x8, s5  }
0x1c: {  	s26 =	simm.s32 $0x15900;
	[dreg:$0x3] =	wrdreg s6;
	s20 =	sadd.s32 s7, s8  }
0x1d: {  	s5 =	smul.u32 $0x300, s5;
	s6 =	simm.s32 $0x3900;
	[dreg:$0x4] =	wrdreg s20  }
0x1e: {  	s21 =	smul.u32 $0x300, s8;
	s7 =	simm.s32 $0x4100;
	[dreg:$0xe] =	wrdreg s6  }
0x1f: {  	s8 =	simm.s32 $0x4900;
	s5 =	sadd.s32 s3, s5;
	[dreg:$0xf] =	wrdreg s7  }
0x20: {  	[dreg:$0x10] =	wrdreg s8;
	s20 =	simm.s32 $0xA100;
	s6 =	ssub.s32 s4, s19  }
0x21: {  	s4 =	sadd.s32 $0x4B00, s0;
	s7 =	simm.s32 $0x100;
	[dreg:$0x5] =	wrdreg s5  }
0x22: {  	s8 =	simm.s32 $0xC100;
	s3 =	sadd.s32 s3, s21;
	[dreg:$0x1b] =	wrdreg s20  }
0x23: {  	s19 =	simm.s32 $0x12100;
	s5 =	simm.s32 $0x3100;
	[dreg:$0x6] =	wrdreg s3  }
0x24: {  	v2 =	vlaneseq.u32;
	s21 =	simm.s32 $0xA900;
	s6 =	smax.u32 s6, $0x1;
	[dreg:$0xd] =	wrdreg s5  }
0x25: {  	vm0 =	vmmov $0xffff;
	v1 =	vshrl.u32 v2, $0x3;
	s20 =	simm.s32 $0x12900;
	s3 =	sadd.s32 $0x4A00, s0;
	[dreg:$0x1c] =	wrdreg s21  }
0x26: {  	v0 =	vand.u32 $0x7, v2;
	v2 =	vor.u32 $0x8, v2;
	v1 =	vmul.u32 $0x8, v1;
	s5 =	sadd.s32 $0x4C00, s0;
	s21 =	simm.s32 $0x13100;
	s0 =	simm.s32 $0x3  }
.LBB2_1:
0x27: {  	s1 =	rddreg [dreg:$0x3]  }
0x28: {  	s11 =	rddreg [dreg:$0x4]  }
0x29: {  	[tilespmem:s2], [sflag:$0x1] =	stream.linear.gather [hbm4b:s1+s2], $0x40, $0x38;
	[tilespmem:$0x18100] =	vst v63  }
0x2a: {  	s12 =	rddreg [dreg:$0x7]  }
0x2b: {  	[tilespmem:s12], [sflag:$0x1] =	stream.linear.gather [hbm4b:s11+s2], $0x40, $0x38;
	[tilespmem:$0x18100] =	vst v63  }
0x2c: {  	s1 =	rddreg [dreg:$0x5]  }
0x2d: {  	[tilespmem:s7], [sflag:$0x2] =	stream.linear.gather [hbm4b:s1+s2], $0xC000, $0x38;
	[tilespmem:$0x18100] =	vst v63  }
0x2e: {  	s12 =	rddreg [dreg:$0x6]  }
0x2f: {  	[tilespmem:s8], [sflag:$0x2] =	stream.linear.gather [hbm4b:s12+s2], $0xC000, $0x38;
	[tilespmem:$0x18100] =	vst v63  }
0x30: {  	_ =	swait.ge [sflag:s9], $0x40  }
0x31: {  	[sflag:s9] =	ssyncset.done $0x0  }
0x32: {  	[sflag:s9] =	ssyncadd.s32 $0xFFFFFFC0  }
0x33: {  	_ =	swait.ge [sflag:s9], $0x40  }
0x34: {  	[sflag:s9] =	ssyncset.done $0x0  }
0x35: {  	[sflag:s9] =	ssyncadd.s32 $0xFFFFFFC0  }
0x36: {  	_ =	swait.ge [sflag:s10], $0xC000  }
0x37: {  	[sflag:s10] =	ssyncset.done $0x0  }
0x38: {  	[sflag:s10] =	ssyncadd.s32 $0xFFFF4000  }
0x39: {  	v3 =	vld [tilespmem:$0x0];
	_ =	sdelay $0x4  }
0x3a: {  	v4 =	vshrl.u32 v3, $0x3  }
0x3b: {  	v4 =	vmul.u32 $0x30, v4  }
0x3c: {  	v3 =	vand.u32 $0x7, v3  }
0x3d: {  	v3 =	vor.u32 v3, v4  }
0x3e: {  	v4 =	vperm.xlane v3, v0;
	_ =	sdelay $0x1  }
0x3f: {  	v4 =	vadd.s32 v1, v4;
	_ =	sdelay $0x3  }
0x40: {  	v3 =	vperm.xlane v3, v2  }
0x41: {  	[hbm4b:s3+s2] =	stream.indirect_vreg.scatter [tilespmem:s7], [sflag:$0x3], $0x80, v4, vm0, $0xb8;
	[tilespmem:$0x18100] =	vst v63  }
0x42: {  	s12 =	rddreg [dreg:$0x8];
	v3 =	vadd.s32 v1, v3  }
0x43: {  	[hbm4b:s4+s2] =	stream.indirect_vreg.scatter [tilespmem:s12], [sflag:$0x3], $0x80, v4, vm0, $0xb8;
	[tilespmem:$0x18100] =	vst v63  }
0x44: {  	s11 =	rddreg [dreg:$0x9]  }
0x45: {  	[hbm4b:s5+s2] =	stream.indirect_vreg.scatter [tilespmem:s11], [sflag:$0x3], $0x80, v4, vm0, $0xb8;
	[tilespmem:$0x18100] =	vst v63  }
0x46: {  	s12 =	rddreg [dreg:$0xa]  }
0x47: {  	[hbm4b:s3+s2] =	stream.indirect_vreg.scatter [tilespmem:s12], [sflag:$0x3], $0x80, v3, vm0, $0xb8;
	[tilespmem:$0x18100] =	vst v63  }
0x48: {  	s11 =	rddreg [dreg:$0xb]  }
0x49: {  	[hbm4b:s4+s2] =	stream.indirect_vreg.scatter [tilespmem:s11], [sflag:$0x3], $0x80, v3, vm0, $0xb8;
	[tilespmem:$0x18100] =	vst v63  }
0x4a: {  	s12 =	rddreg [dreg:$0xc]  }
0x4b: {  	[hbm4b:s5+s2] =	stream.indirect_vreg.scatter [tilespmem:s12], [sflag:$0x3], $0x80, v3, vm0, $0xb8;
	[tilespmem:$0x18100] =	vst v63  }
0x4c: {  	v3 =	vld [tilespmem:$0x10];
	_ =	sdelay $0x4  }
0x4d: {  	v57 =	vshrl.u32 v3, $0x3  }
0x4e: {  	v4 =	vmul.u32 $0x30, v57  }
0x4f: {  	v3 =	vand.u32 $0x7, v3  }
0x50: {  	v3 =	vor.u32 v3, v4  }
0x51: {  	v4 =	vperm.xlane v3, v0;
	_ =	sdelay $0x1  }
0x52: {  	v4 =	vadd.s32 v1, v4;
	_ =	sdelay $0x3  }
0x53: {  	s11 =	rddreg [dreg:$0xd];
	v3 =	vperm.xlane v3, v2  }
0x54: {  	[hbm4b:s3+s2] =	stream.indirect_vreg.scatter [tilespmem:s11], [sflag:$0x3], $0x80, v4, vm0, $0xb8;
	[tilespmem:$0x18100] =	vst v63  }
0x55: {  	s12 =	rddreg [dreg:$0xe];
	v3 =	vadd.s32 v1, v3  }
0x56: {  	[hbm4b:s4+s2] =	stream.indirect_vreg.scatter [tilespmem:s12], [sflag:$0x3], $0x80, v4, vm0, $0xb8;
	[tilespmem:$0x18100] =	vst v63  }
0x57: {  	s1 =	rddreg [dreg:$0xf]  }
0x58: {  	[hbm4b:s5+s2] =	stream.indirect_vreg.scatter [tilespmem:s1], [sflag:$0x3], $0x80, v4, vm0, $0xb8;
	[tilespmem:$0x18100] =	vst v63  }
0x59: {  	s12 =	rddreg [dreg:$0x10]  }
0x5a: {  	[hbm4b:s3+s2] =	stream.indirect_vreg.scatter [tilespmem:s12], [sflag:$0x3], $0x80, v3, vm0, $0xb8;
	[tilespmem:$0x18100] =	vst v63  }
0x5b: {  	s1 =	rddreg [dreg:$0x11]  }
0x5c: {  	[hbm4b:s4+s2] =	stream.indirect_vreg.scatter [tilespmem:s1], [sflag:$0x3], $0x80, v3, vm0, $0xb8;
	[tilespmem:$0x18100] =	vst v63  }
0x5d: {  	s12 =	rddreg [dreg:$0x12]  }
0x5e: {  	[hbm4b:s5+s2] =	stream.indirect_vreg.scatter [tilespmem:s12], [sflag:$0x3], $0x80, v3, vm0, $0xb8;
	[tilespmem:$0x18100] =	vst v63  }
0x5f: {  	v3 =	vld [tilespmem:$0x20];
	_ =	sdelay $0x4  }
0x60: {  	v58 =	vshrl.u32 v3, $0x3  }
0x61: {  	v4 =	vmul.u32 $0x30, v58  }
0x62: {  	v3 =	vand.u32 $0x7, v3  }
0x63: {  	v3 =	vor.u32 v3, v4  }
0x64: {  	v4 =	vperm.xlane v3, v0;
	_ =	sdelay $0x1  }
0x65: {  	v4 =	vadd.s32 v1, v4;
	_ =	sdelay $0x3  }
0x66: {  	s11 =	rddreg [dreg:$0x13];
	v3 =	vperm.xlane v3, v2  }
0x67: {  	[hbm4b:s3+s2] =	stream.indirect_vreg.scatter [tilespmem:s11], [sflag:$0x3], $0x80, v4, vm0, $0xb8;
	[tilespmem:$0x18100] =	vst v63  }
0x68: {  	s12 =	rddreg [dreg:$0x14];
	v3 =	vadd.s32 v1, v3  }
0x69: {  	[hbm4b:s4+s2] =	stream.indirect_vreg.scatter [tilespmem:s12], [sflag:$0x3], $0x80, v4, vm0, $0xb8;
	[tilespmem:$0x18100] =	vst v63  }
0x6a: {  	s1 =	rddreg [dreg:$0x15]  }
0x6b: {  	[hbm4b:s5+s2] =	stream.indirect_vreg.scatter [tilespmem:s1], [sflag:$0x3], $0x80, v4, vm0, $0xb8;
	[tilespmem:$0x18100] =	vst v63  }
0x6c: {  	s12 =	rddreg [dreg:$0x16]  }
0x6d: {  	[hbm4b:s3+s2] =	stream.indirect_vreg.scatter [tilespmem:s12], [sflag:$0x3], $0x80, v3, vm0, $0xb8;
	[tilespmem:$0x18100] =	vst v63  }
0x6e: {  	s1 =	rddreg [dreg:$0x17]  }
0x6f: {  	[hbm4b:s4+s2] =	stream.indirect_vreg.scatter [tilespmem:s1], [sflag:$0x3], $0x80, v3, vm0, $0xb8;
	[tilespmem:$0x18100] =	vst v63  }
0x70: {  	s12 =	rddreg [dreg:$0x18]  }
0x71: {  	[hbm4b:s5+s2] =	stream.indirect_vreg.scatter [tilespmem:s12], [sflag:$0x3], $0x80, v3, vm0, $0xb8;
	[tilespmem:$0x18100] =	vst v63  }
0x72: {  	v3 =	vld [tilespmem:$0x30];
	_ =	sdelay $0x4  }
0x73: {  	v59 =	vshrl.u32 v3, $0x3  }
0x74: {  	v4 =	vmul.u32 $0x30, v59  }
0x75: {  	v3 =	vand.u32 $0x7, v3  }
0x76: {  	v3 =	vor.u32 v3, v4  }
0x77: {  	v4 =	vperm.xlane v3, v0;
	_ =	sdelay $0x1  }
0x78: {  	v4 =	vadd.s32 v1, v4;
	_ =	sdelay $0x3  }
0x79: {  	s11 =	rddreg [dreg:$0x19];
	v3 =	vperm.xlane v3, v2  }
0x7a: {  	[hbm4b:s3+s2] =	stream.indirect_vreg.scatter [tilespmem:s11], [sflag:$0x3], $0x80, v4, vm0, $0xb8;
	[tilespmem:$0x18100] =	vst v63  }
0x7b: {  	s12 =	rddreg [dreg:$0x1a];
	v3 =	vadd.s32 v1, v3  }
0x7c: {  	[hbm4b:s4+s2] =	stream.indirect_vreg.scatter [tilespmem:s12], [sflag:$0x3], $0x80, v4, vm0, $0xb8;
	[tilespmem:$0x18100] =	vst v63  }
0x7d: {  	s1 =	rddreg [dreg:$0x1b]  }
0x7e: {  	[hbm4b:s5+s2] =	stream.indirect_vreg.scatter [tilespmem:s1], [sflag:$0x3], $0x80, v4, vm0, $0xb8;
	[tilespmem:$0x18100] =	vst v63  }
0x7f: {  	s12 =	rddreg [dreg:$0x1c]  }
0x80: {  	[hbm4b:s3+s2] =	stream.indirect_vreg.scatter [tilespmem:s12], [sflag:$0x3], $0x80, v3, vm0, $0xb8;
	[tilespmem:$0x18100] =	vst v63  }
0x81: {  	s1 =	rddreg [dreg:$0x1d]  }
0x82: {  	[hbm4b:s4+s2] =	stream.indirect_vreg.scatter [tilespmem:s1], [sflag:$0x3], $0x80, v3, vm0, $0xb8;
	[tilespmem:$0x18100] =	vst v63  }
0x83: {  	s12 =	rddreg [dreg:$0x1e]  }
0x84: {  	[hbm4b:s5+s2] =	stream.indirect_vreg.scatter [tilespmem:s12], [sflag:$0x3], $0x80, v3, vm0, $0xb8;
	[tilespmem:$0x18100] =	vst v63  }
0x85: {  	_ =	swait.ge [sflag:s10], $0xC000  }
0x86: {  	[sflag:s10] =	ssyncset.done $0x0  }
0x87: {  	[sflag:s10] =	ssyncadd.s32 $0xFFFF4000  }
0x88: {  	v3 =	vld [tilespmem:$0x80];
	_ =	sdelay $0x4  }
0x89: {  	v60 =	vshrl.u32 v3, $0x3  }
0x8a: {  	v4 =	vmul.u32 $0x30, v60  }
0x8b: {  	v3 =	vand.u32 $0x7, v3  }
0x8c: {  	v3 =	vor.u32 v3, v4  }
0x8d: {  	v4 =	vperm.xlane v3, v0;
	_ =	sdelay $0x1  }
0x8e: {  	v4 =	vadd.s32 v1, v4;
	_ =	sdelay $0x3  }
0x8f: {  	s12 =	rddreg [dreg:$0x1f];
	v3 =	vperm.xlane v3, v2  }
0x90: {  	[hbm4b:s3+s2] =	stream.indirect_vreg.scatter [tilespmem:s8], [sflag:$0x3], $0x80, v4, vm0, $0xb8;
	[tilespmem:$0x18100] =	vst v63  }
0x91: {  	s11 =	sld [smem:$0x7FC];
	v3 =	vadd.s32 v1, v3  }
0x92: {  	[hbm4b:s4+s2] =	stream.indirect_vreg.scatter [tilespmem:s12], [sflag:$0x3], $0x80, v4, vm0, $0xb8;
	[tilespmem:$0x18100] =	vst v63  }
0x93: {  	s12 =	sld [smem:$0x7FD]  }
0x94: {  	[hbm4b:s5+s2] =	stream.indirect_vreg.scatter [tilespmem:s11], [sflag:$0x3], $0x80, v4, vm0, $0xb8;
	[tilespmem:$0x18100] =	vst v63  }
0x95: {  	_ = 	snop  }
0x96: {  	[hbm4b:s3+s2] =	stream.indirect_vreg.scatter [tilespmem:s12], [sflag:$0x3], $0x80, v3, vm0, $0xb8;
	[tilespmem:$0x18100] =	vst v63  }
0x97: {  	s11 =	simm.s32 $0xE100  }
0x98: {  	[hbm4b:s4+s2] =	stream.indirect_vreg.scatter [tilespmem:s11], [sflag:$0x3], $0x80, v3, vm0, $0xb8;
	[tilespmem:$0x18100] =	vst v63  }
0x99: {  	s12 =	simm.s32 $0xE900  }
0x9a: {  	[hbm4b:s5+s2] =	stream.indirect_vreg.scatter [tilespmem:s12], [sflag:$0x3], $0x80, v3, vm0, $0xb8;
	[tilespmem:$0x18100] =	vst v63  }
0x9b: {  	v3 =	vld [tilespmem:$0x90];
	_ =	sdelay $0x4  }
0x9c: {  	v61 =	vshrl.u32 v3, $0x3  }
0x9d: {  	v4 =	vmul.u32 $0x30, v61  }
0x9e: {  	v3 =	vand.u32 $0x7, v3  }
0x9f: {  	v3 =	vor.u32 v3, v4  }
0xa0: {  	v4 =	vperm.xlane v3, v0;
	_ =	sdelay $0x1  }
0xa1: {  	v4 =	vadd.s32 v1, v4;
	_ =	sdelay $0x3  }
0xa2: {  	v3 =	vperm.xlane v3, v2  }
0xa3: {  	[hbm4b:s3+s2] =	stream.indirect_vreg.scatter [tilespmem:s13], [sflag:$0x3], $0x80, v4, vm0, $0xb8;
	[tilespmem:$0x18100] =	vst v63  }
0xa4: {  	v3 =	vadd.s32 v1, v3  }
0xa5: {  	[hbm4b:s4+s2] =	stream.indirect_vreg.scatter [tilespmem:s14], [sflag:$0x3], $0x80, v4, vm0, $0xb8;
	[tilespmem:$0x18100] =	vst v63  }
0xa6: {  	_ = 	snop  }
0xa7: {  	[hbm4b:s5+s2] =	stream.indirect_vreg.scatter [tilespmem:s15], [sflag:$0x3], $0x80, v4, vm0, $0xb8;
	[tilespmem:$0x18100] =	vst v63  }
0xa8: {  	_ = 	snop  }
0xa9: {  	[hbm4b:s3+s2] =	stream.indirect_vreg.scatter [tilespmem:s16], [sflag:$0x3], $0x80, v3, vm0, $0xb8;
	[tilespmem:$0x18100] =	vst v63  }
0xaa: {  	_ = 	snop  }
0xab: {  	[hbm4b:s4+s2] =	stream.indirect_vreg.scatter [tilespmem:s17], [sflag:$0x3], $0x80, v3, vm0, $0xb8;
	[tilespmem:$0x18100] =	vst v63  }
0xac: {  	_ = 	snop  }
0xad: {  	[hbm4b:s5+s2] =	stream.indirect_vreg.scatter [tilespmem:s18], [sflag:$0x3], $0x80, v3, vm0, $0xb8;
	[tilespmem:$0x18100] =	vst v63  }
0xae: {  	v3 =	vld [tilespmem:$0xA0];
	_ =	sdelay $0x4  }
0xaf: {  	v62 =	vshrl.u32 v3, $0x3  }
0xb0: {  	v4 =	vmul.u32 $0x30, v62  }
0xb1: {  	v3 =	vand.u32 $0x7, v3  }
0xb2: {  	v3 =	vor.u32 v3, v4  }
0xb3: {  	v4 =	vperm.xlane v3, v0;
	_ =	sdelay $0x1  }
0xb4: {  	v4 =	vadd.s32 v1, v4;
	_ =	sdelay $0x3  }
0xb5: {  	v3 =	vperm.xlane v3, v2  }
0xb6: {  	[hbm4b:s3+s2] =	stream.indirect_vreg.scatter [tilespmem:s19], [sflag:$0x3], $0x80, v4, vm0, $0xb8;
	[tilespmem:$0x18100] =	vst v63  }
0xb7: {  	v3 =	vadd.s32 v1, v3  }
0xb8: {  	[hbm4b:s4+s2] =	stream.indirect_vreg.scatter [tilespmem:s20], [sflag:$0x3], $0x80, v4, vm0, $0xb8;
	[tilespmem:$0x18100] =	vst v63  }
0xb9: {  	_ = 	snop  }
0xba: {  	[hbm4b:s5+s2] =	stream.indirect_vreg.scatter [tilespmem:s21], [sflag:$0x3], $0x80, v4, vm0, $0xb8;
	[tilespmem:$0x18100] =	vst v63  }
0xbb: {  	_ = 	snop  }
0xbc: {  	[hbm4b:s3+s2] =	stream.indirect_vreg.scatter [tilespmem:s22], [sflag:$0x3], $0x80, v3, vm0, $0xb8;
	[tilespmem:$0x18100] =	vst v63  }
0xbd: {  	_ = 	snop  }
0xbe: {  	[hbm4b:s4+s2] =	stream.indirect_vreg.scatter [tilespmem:s23], [sflag:$0x3], $0x80, v3, vm0, $0xb8;
	[tilespmem:$0x18100] =	vst v63  }
0xbf: {  	_ = 	snop  }
0xc0: {  	[hbm4b:s5+s2] =	stream.indirect_vreg.scatter [tilespmem:s24], [sflag:$0x3], $0x80, v3, vm0, $0xb8;
	[tilespmem:$0x18100] =	vst v63  }
0xc1: {  	v3 =	vld [tilespmem:$0xB0];
	_ =	sdelay $0x4  }
0xc2: {  	v63 =	vshrl.u32 v3, $0x3  }
0xc3: {  	v4 =	vmul.u32 $0x30, v63  }
0xc4: {  	v3 =	vand.u32 $0x7, v3  }
0xc5: {  	v3 =	vor.u32 v3, v4  }
0xc6: {  	v4 =	vperm.xlane v3, v0;
	_ =	sdelay $0x1  }
0xc7: {  	v4 =	vadd.s32 v1, v4;
	_ =	sdelay $0x3  }
0xc8: {  	v3 =	vperm.xlane v3, v2  }
0xc9: {  	[hbm4b:s3+s2] =	stream.indirect_vreg.scatter [tilespmem:s25], [sflag:$0x3], $0x80, v4, vm0, $0xb8;
	[tilespmem:$0x18100] =	vst v63  }
0xca: {  	v3 =	vadd.s32 v1, v3  }
0xcb: {  	[hbm4b:s4+s2] =	stream.indirect_vreg.scatter [tilespmem:s26], [sflag:$0x3], $0x80, v4, vm0, $0xb8;
	[tilespmem:$0x18100] =	vst v63  }
0xcc: {  	_ = 	snop  }
0xcd: {  	[hbm4b:s5+s2] =	stream.indirect_vreg.scatter [tilespmem:s28], [sflag:$0x3], $0x80, v4, vm0, $0xb8;
	[tilespmem:$0x18100] =	vst v63  }
0xce: {  	_ = 	snop  }
0xcf: {  	[hbm4b:s3+s2] =	stream.indirect_vreg.scatter [tilespmem:s29], [sflag:$0x3], $0x80, v3, vm0, $0xb8;
	[tilespmem:$0x18100] =	vst v63  }
0xd0: {  	_ = 	snop  }
0xd1: {  	[hbm4b:s4+s2] =	stream.indirect_vreg.scatter [tilespmem:s30], [sflag:$0x3], $0x80, v3, vm0, $0xb8;
	[tilespmem:$0x18100] =	vst v63  }
0xd2: {  	_ = 	snop  }
0xd3: {  	[hbm4b:s5+s2] =	stream.indirect_vreg.scatter [tilespmem:s31], [sflag:$0x3], $0x80, v3, vm0, $0xb8;
	[tilespmem:$0x18100] =	vst v63  }
0xd4: {  	p0 =	sne.s32 s6, $0x1;
	_ =	swait.ge [sflag:s0], $0xC000  }
.Ltmp0:
0xd5: {  	[sflag:s0] =	ssyncset.done $0x0;
	(pc) =	sbr.rel @p0 .LBB2_1-.Ltmp0, $4  }
0xd6: {  	[sflag:s0] =	ssyncadd.s32 $0xFFFF4000  }
0xd7: {  	_ =	swait.ge [sflag:s0], $0xC000  }
0xd8: {  	[sflag:s0] =	ssyncset.done $0x0  }
0xd9: {  	s6 =	sadd.s32 $0xFFFFFFFF, s6;
	[sflag:s0] =	ssyncadd.s32 $0xFFFF4000  }
0xda: {  	_ =	sfence.sel $0x180000  }
0xdb: {  	[bflag:$0x0] =	sbarrier.arrive $0xFFFF  }
0xdc: {  	_ =	strace $0x90000047  }
0xdd: {  	s0 =	stileid.u32;
	[bflag:$0x2] =	sbarrier.arrive $0xFFFF  }
0xde: {  	p0 =	sne.s32 s0, $0x0;
	s0 =	rddreg [dreg:$0x2]  }
0xdf: {  	s0 =	sadd.s32 @!p0 $0x100000, s0  }
0xe0: {  	[sflag:s0] =	ssyncadd.tile.s32 @!p0 $0x1;
	_ =	shalt  }
.Lfunc_end2:
_tile_overlayer_lowered:
.L_overlay_start_2:
0xe1: {  	(tag) =	ssettag $0x2  }
0xe2: {  	s0 =	rddreg [dreg:$0x0];
	s2 =	stileid.u32  }
0xe3: {  	s1 =	rddreg [dreg:$0x1];
	p0 =	sne.s32 s2, $0x0  }
0xe4: {  	s3 =	rddreg [dreg:$0x2];
	[bflag:$0x3] =	sbarrier.arrive $0xFFFF;
	s2 =	simm.s32 @!p0 $0x1C04  }
0xe5: {  	[timem:s3], [sflag:s2] =	dma.local @!p0 [hbm:s0], s1  }
0xe6: {  	s0 =	simm.s32 @!p0 $0x4  }
0xe7: {  	_ =	swait.ge @!p0 [sflag:s0], s1  }
0xe8: {  	s1 =	ssub.s32 @!p0 $0x0, s1;
	[sflag:s0] =	ssyncset.done @!p0 $0x0  }
0xe9: {  	[sflag:s0] =	ssyncadd.s32 @!p0 s1  }
0xea: {  	[bflag:$0x3] =	sbarrier.arrive $0xFFFF  }
0xeb: {  	_ =	shalt  }

// kernel: kernel.9.cloned.1.call-start
scs
__scs_entry_jumppad:
0x0: {  	(pc) =	sbr.rel $0x88, $3  }
0x1: {  	(tag) =	ssettag $0x0;
	lr =	simm.s32 $0x1  }
0x2: {  	[smem:$0x3F9A] =	sst lr;
	_ =	strace $0xD0000000  }
0x3: {  	_ = 	snop  }
0x4: {  	_ = 	snop  }
0x5: {  	_ = 	snop  }
0x6: {  	_ = 	snop  }
0x7: {  	_ = 	snop  }
__scs_overlays_trampoline_lowered:
0x8: {  	[smem:$0x3FA9] =	sst s0  }
0x9: {  	[smem:$0x3FAA] =	sst s1  }
0xa: {  	[smem:$0x3FAB] =	sst s2  }
0xb: {  	[smem:$0x3FAC] =	sst s3  }
0xc: {  	[smem:$0x3FAD] =	sst s4  }
0xd: {  	[smem:$0x3FAE] =	sst s5  }
0xe: {  	[smem:$0x3FAF] =	sst s6  }
0xf: {  	[smem:$0x3FB0] =	sst s7  }
0x10: {  	[smem:$0x3FB1] =	sst s8  }
0x11: {  	[smem:$0x3FB2] =	sst s9;
	s0 =	simm.s32 @!p0 $0x0  }
0x12: {  	s1 =	sld [smem:$0x3F98];
	s0 =	simm.s32 @p0 $0x1  }
0x13: {  	[smem:$0x3FB3] =	sst s0;
	s0 =	simm.s32 @!p1 $0x0  }
0x14: {  	s2 =	sld [smem:$0x3F97];
	s0 =	simm.s32 @p1 $0x1  }
0x15: {  	[smem:$0x3FB4] =	sst s0;
	s0 =	simm.s32 @!p2 $0x0  }
0x16: {  	s3 =	sld [smem:$0x3FDB];
	s0 =	simm.s32 @p2 $0x1  }
0x17: {  	s4 =	simm.s32 $0x1BF5;
	[smem:$0x3FB6] =	sst s0  }
0x18: {  	s0 =	sld [smem:$0x3F99];
	_ =	swait.ge [sflag:s4], $0x0  }
0x19: {  	s7 =	sld [smem:$0x3F9A]  }
0x1a: {  	s8 =	sadd.s32 $0xFFFFE003, lr  }
0x1b: {  	s9 =	sadd.s32 $0xFFFFFEF7, lr;
	s5 =	simm.s32 $0xFFFFFFFF;
	p2 =	slt.u32 s8, $0xFFFFF086  }
0x1c: {  	p1 =	slt.u32 s9, $0xF7A;
	s5 =	simm.s32 @!p2 $0x0  }
0x1d: {  	s5 =	simm.s32 @p1 $0x1;
	p0 =	seq.s32 s7, s2  }
0x1e: {  	s7 =	smul.u32 @!p0 $0xF7A, s2;
	p2 =	seq.s32 @!p0 s5, $0x0  }
0x1f: {  	s9 =	smul.u32 $0xF7A, s1;
	s8 =	simm.s32 @!p0 $0x1BF5;
	p2 =	por !p2, p0  }
0x20: {  	[sflag:s8] =	ssyncset.s32 @!p0 $0xFFFFF086;
	s6 =	sadd.s32 @!p0 s3, s7;
	s7 =	simm.s32 @!p0 $0x108  }
0x21: {  	s3 =	sadd.s32 s3, s9;
	s6 =	sadd.s32 @!p0 $0x88, s6;
	s7 =	simm.s32 @p2 $0x1082  }
0x22: {  	[simem:s7], [sflag:s8] =	dma.local @!p0 [hbm:s6], $0xF7A  }
0x23: {  	s9 =	sor.u32 $0xD0000000, s2;
	s6 =	simm.s32 $0x108;
	_ =	swait.ge @!p0 [sflag:s8], $0x0  }
0x24: {  	s3 =	sadd.s32 $0x88, s3;
	s6 =	simm.s32 @!p1 $0x1082;
	[sflag:s4] =	ssyncset.s32 $0xFFFFF086  }
0x25: {  	[simem:s6], [sflag:s4] =	dma.local [hbm:s3], $0xF7A  }
0x26: {  	[smem:$0x3F9A] =	sst s1;
	(tag) =	ssettag s2;
	_ =	strace s9  }
0x27: {  	s1 =	sld [smem:$0x3FAA]  }
0x28: {  	s2 =	sld [smem:$0x3FAB]  }
0x29: {  	s4 =	sld [smem:$0x3FAD]  }
0x2a: {  	p0 =	seq.s32 s5, $0x0;
	s5 =	sld [smem:$0x3FAE]  }
0x2b: {  	s6 =	sld [smem:$0x3FAF]  }
0x2c: {  	s7 =	sld [smem:$0x3FB0]  }
0x2d: {  	s3 =	simm.s32 $0x108;
	s8 =	sld [smem:$0x3FB1]  }
0x2e: {  	s3 =	simm.s32 @!p0 $0x1082;
	s9 =	sld [smem:$0x3FB2]  }
0x2f: {  	lr =	sadd.s32 s0, s3;
	s0 =	sld [smem:$0x3FA9]  }
0x30: {  	s3 =	sld [smem:$0x3FAC]  }
0x31: {  	[smem:$0x3FB5] =	sst s10  }
0x32: {  	s10 =	sld [smem:$0x3FB3];
	_ =	sdelay $0x3  }
0x33: {  	p0 =	seq.s32 s10, $0x1;
	s10 =	sld [smem:$0x3FB5];
	_ =	sdelay $0x3  }
0x34: {  	[smem:$0x3FB5] =	sst s10  }
0x35: {  	s10 =	sld [smem:$0x3FB4];
	_ =	sdelay $0x3  }
0x36: {  	p1 =	seq.s32 s10, $0x1;
	s10 =	sld [smem:$0x3FB5];
	_ =	sdelay $0x3  }
0x37: {  	[smem:$0x3FB5] =	sst s10  }
0x38: {  	s10 =	sld [smem:$0x3FB6]  }
0x39: {  	_ = 	snop;
	(pc) =	sbr.ind lr, $3  }
0x3a: {  	_ = 	snop  }
0x3b: {  	_ = 	snop  }
0x3c: {  	p2 =	seq.s32 s10, $0x1;
	s10 =	sld [smem:$0x3FB5]  }
0x3d: {  	_ =	shalt  }
0x3e: {  	_ =	shalt  }
0x3f: {  	_ =	shalt  }
0x40: {  	_ =	shalt  }
0x41: {  	_ =	shalt  }
0x42: {  	_ =	shalt  }
0x43: {  	_ =	shalt  }
0x44: {  	_ =	shalt  }
0x45: {  	_ =	shalt  }
0x46: {  	_ =	shalt  }
0x47: {  	_ =	shalt  }
0x48: {  	_ =	shalt  }
0x49: {  	_ =	shalt  }
0x4a: {  	_ =	shalt  }
0x4b: {  	_ =	shalt  }
0x4c: {  	_ =	shalt  }
0x4d: {  	_ =	shalt  }
0x4e: {  	_ =	shalt  }
0x4f: {  	_ =	shalt  }
0x50: {  	_ =	shalt  }
0x51: {  	_ =	shalt  }
0x52: {  	_ =	shalt  }
0x53: {  	_ =	shalt  }
0x54: {  	_ =	shalt  }
0x55: {  	_ =	shalt  }
0x56: {  	_ =	shalt  }
0x57: {  	_ =	shalt  }
0x58: {  	_ =	shalt  }
0x59: {  	_ =	shalt  }
0x5a: {  	_ =	shalt  }
0x5b: {  	_ =	shalt  }
0x5c: {  	_ =	shalt  }
0x5d: {  	_ =	shalt  }
0x5e: {  	_ =	shalt  }
0x5f: {  	_ =	shalt  }
0x60: {  	_ =	shalt  }
0x61: {  	_ =	shalt  }
0x62: {  	_ =	shalt  }
0x63: {  	_ =	shalt  }
0x64: {  	_ =	shalt  }
0x65: {  	_ =	shalt  }
0x66: {  	_ =	shalt  }
0x67: {  	_ =	shalt  }
0x68: {  	_ =	shalt  }
0x69: {  	_ =	shalt  }
0x6a: {  	_ =	shalt  }
0x6b: {  	_ =	shalt  }
0x6c: {  	_ =	shalt  }
0x6d: {  	_ =	shalt  }
0x6e: {  	_ =	shalt  }
0x6f: {  	_ =	shalt  }
0x70: {  	_ =	shalt  }
0x71: {  	_ =	shalt  }
0x72: {  	_ =	shalt  }
0x73: {  	_ =	shalt  }
0x74: {  	_ =	shalt  }
0x75: {  	_ =	shalt  }
0x76: {  	_ =	shalt  }
0x77: {  	_ =	shalt  }
0x78: {  	_ =	shalt  }
0x79: {  	_ =	shalt  }
0x7a: {  	_ =	shalt  }
0x7b: {  	_ =	shalt  }
0x7c: {  	_ =	shalt  }
0x7d: {  	_ =	shalt  }
0x7e: {  	_ =	shalt  }
0x7f: {  	_ =	shalt  }
0x80: {  	_ =	shalt  }
0x81: {  	_ =	shalt  }
0x82: {  	_ =	shalt  }
0x83: {  	_ =	shalt  }
0x84: {  	_ =	shalt  }
0x85: {  	_ =	shalt  }
0x86: {  	_ =	shalt  }
0x87: {  	_ =	shalt  }
.Lfunc_end0:
.L_simem_size_0:
called_computation.1_lowered:
.L_overlay_start_0:
0x88: {  	s2 =	sld [smem:$0x3FD9]  }
0x89: {  	s3 =	sld [smem:$0x3FFE];
	_ =	sdelay $0x1  }
0x8a: {  	s1 =	srdreg.scid  }
0x8b: {  	s0 =	sand.u32 $0x1, s1  }
0x8c: {  	s14 =	sshll.u32 s0, $0xA;
	s2 =	sadd.s32 s3, s2  }
0x8d: {  	s2 =	sadd.s32 s2, s14  }
0x8e: {  	[smem:$0x3FC1] =	sst s2  }
0x8f: {  	_ = 	snop  }
0x90: {  	s2 =	sld [smem:$0x3FD0];
	_ =	sdelay $0x2  }
0x91: {  	s15 =	simm.s32 $0xA;
	s4 =	simm.s32 $0x10  }
0x92: {  	[smem:s4], [sflag:s15] =	dma.local [hbm:s2], $0x1  }
0x93: {  	_ =	swait.eq [sflag:s15], $0x1  }
0x94: {  	[sflag:s15] =	ssyncset.done $0x0  }
0x95: {  	[sflag:s15] =	ssyncadd.s32 $0xFFFFFFFF  }
0x96: {  	s16 =	sld [smem:$0x10];
	(tm) =	ssettm $0x1  }
0x97: {  	s17 =	sld [smem:$0x3FFB];
	_ =	sdelay $0x3  }
0x98: {  	_ =	strace s17  }
0x99: {  	s3 =	sld [smem:$0x3FFC];
	_ =	sdelay $0x3  }
0x9a: {  	_ =	strace s3  }
0x9b: {  	s3 =	sld [smem:$0x3FFD];
	_ =	sdelay $0x3  }
0x9c: {  	_ =	strace s3  }
0x9d: {  	_ =	strace $0x8FFFFFFF  }
0x9e: {  	s18 =	sld [smem:$0x3FDB];
	_ =	sdelay $0x1  }
0x9f: {  	s19 =	simm.s32 $_scs_section_size  }
0xa0: {  	s5 =	simm.s32 $_size__tile_overlayer_lowered;
	s6 =	simm.s32 $_tile_overlayer_lowered  }
0xa1: {  	s22 =	simm.s32 $0x1BFF;
	s21 =	sshll.u32 s6, $0x1;
	s3 =	sadd.s32 s19, s18  }
0xa2: {  	s7 =	simm.s32 $0x0;
	s20 =	sshll.u32 s5, $0x1;
	s5 =	sadd.s32 s21, s3  }
0xa3: {  	[timem:s7], [sflag:s22] =	dma.local [hbm:s5], s20  }
0xa4: {  	_ =	swait.ge [sflag:s22], s20  }
0xa5: {  	s4 =	ssub.s32 $0x0, s20;
	[sflag:s22] =	ssyncset.done $0x0  }
0xa6: {  	[sflag:s22] =	ssyncadd.s32 s4;
	_ =	sdelay $0x1  }
0xa7: {  	s23 =	simm.s32 $0x1B8B  }
0xa8: {  	_ =	swait.ge [sflag:s23], $0x1  }
0xa9: {  	[sflag:s23] =	ssyncset.done $0x0  }
0xaa: {  	s25 =	simm.s32 $0x1B8E;
	s24 =	sld [smem:$0x3FFE];
	[sflag:s23] =	ssyncadd.s32 $0xFFFFFFFF  }
0xab: {  	s26 =	simm.s32 $execute0_lowered;
	[smem:$0x3FD2] =	sst s25  }
0xac: {  	s5 =	sshll.u32 s26, $0x1;
	_ =	strace $0x80000049;
	[dreg:$0x1] =	wrdreg $0xFFFFFFFF  }
0xad: {  	s28 =	simm.s32 $_size_execute0_lowered;
	s3 =	sadd.s32 s3, s5;
	[dreg:$0x0] =	wrdreg $0x0  }
0xae: {  	s5 =	sshll.u32 s28, $0x1;
	[dreg:$0x2] =	wrdreg s3  }
0xaf: {  	[dreg:$0x3] =	wrdreg s5  }
0xb0: {  	[dreg:$0x4] =	wrdreg $0xC0  }
0xb1: {  	_ =	task [dreg:s7], $0x5FFFF  }
0xb2: {  	[dreg:$0x1] =	wrdreg $0xFFFFFFFF  }
0xb3: {  	[dreg:$0x0] =	wrdreg $0x60  }
0xb4: {  	[dreg:$0x2] =	wrdreg s24  }
0xb5: {  	[dreg:$0x3] =	wrdreg s16  }
0xb6: {  	[dreg:$0x4] =	wrdreg $0x9  }
0xb7: {  	_ =	task.clear_ibuf [dreg:s7], $0x5FFFF;
	_ =	strace $0x90000049  }
0xb8: {  	s29 =	simm.s32 $0x9;
	_ =	strace $0x8000004B  }
0xb9: {  	_ =	swait.ge [sflag:s29], $0x1  }
0xba: {  	[sflag:s29] =	ssyncadd.s32 $0xFFFFFFFF  }
0xbb: {  	_ =	strace $0x9000004B  }
0xbc: {  	_ =	sfence  }
0xbd: {  	s30 =	sld [smem:$0x0];
	_ =	sdelay $0x2  }
0xbe: {  	s31 =	sshll.u32 s1, $0xD;
	s1 =	sshrl.u32 s1, $0x2  }
0xbf: {  	s3 =	sand.u32 $0x4000, s31;
	s1 =	sadd.s32 s1, s30  }
0xc0: {  	s0 =	sor.u32 s3, s0;
	s1 =	sshll.u32 s1, $0x11  }
0xc1: {  	s0 =	sor.u32 s1, s0  }
0xc2: {  	s0 =	sadd.s32 $0x8F2B, s0  }
0xc3: {  	[sflag:s0] =	ssyncadd.remote.s32 $0x1  }
0xc4: {  	_ =	sfence.sel $0xFFFF  }
0xc5: {  	[dreg:$0x0] =	wrdreg $0xFFFFFFFF;
	(pc) =	sbr.abs _section_cstart, $3  }
0xc6: {  	[dreg:$0x1] =	wrdreg $0xFFFFFFFF  }
0xc7: {  	_ =	task.clear_ibuf [dreg:s7], $0x2FFFF;
	_ =	strace $0x9FFFFFFF  }
0xc8: {  	(tm) =	ssettm $0x7FFFFFFF  }
0xc9: {  	_ =	shalt  }
tec
execute0_lowered:
.L_overlay_start_1:
0x0: {  	(tag) =	ssettag $0x1  }
0x1: {  	s1 =	srdreg.scid  }
0x2: {  	s0 =	stileid.u32;
	s4 =	sand.u32 $0x1, s1  }
0x3: {  	s5 =	rddreg [dreg:$0x1];
	s2 =	sshll.u32 s0, $0x5;
	s3 =	sshll.u32 s4, $0x4  }
0x4: {  	s1 =	rddreg [dreg:$0x0];
	s3 =	sor.u32 s3, s2;
	s2 =	simm.s32 $0x0  }
0x5: {  	s24 =	simm.s32 $0x880;
	[smem:$0x7FF] =	sst s2  }
0x6: {  	s25 =	simm.s32 $0x1080;
	_ =	strace $0x8000004A;
	[dreg:$0x6] =	wrdreg s24  }
0x7: {  	s26 =	simm.s32 $0x1880;
	[dreg:$0x7] =	wrdreg s25  }
0x8: {  	s0 =	simm.s32 $0x2080;
	[dreg:$0x8] =	wrdreg s26  }
0x9: {  	s8 =	simm.s32 $0x4080;
	[dreg:$0x9] =	wrdreg s0  }
0xa: {  	s9 =	simm.s32 $0x4880;
	[dreg:$0xd] =	wrdreg s8  }
0xb: {  	s10 =	simm.s32 $0x5080;
	[dreg:$0xe] =	wrdreg s9  }
0xc: {  	s11 =	simm.s32 $0x5880;
	[dreg:$0xf] =	wrdreg s10  }
0xd: {  	s12 =	simm.s32 $0x6080;
	[dreg:$0x10] =	wrdreg s11  }
0xe: {  	s13 =	simm.s32 $0x6880;
	s14 =	simm.s32 $0x7080;
	[dreg:$0x11] =	wrdreg s12  }
0xf: {  	s15 =	simm.s32 $0x7880;
	s16 =	simm.s32 $0x8080;
	[dreg:$0x12] =	wrdreg s13  }
0x10: {  	s17 =	simm.s32 $0x8880;
	s18 =	simm.s32 $0x9080;
	[dreg:$0x13] =	wrdreg s14  }
0x11: {  	s20 =	simm.s32 $0x9880;
	s21 =	simm.s32 $0xA080;
	[dreg:$0x14] =	wrdreg s15  }
0x12: {  	s22 =	simm.s32 $0xA880;
	s28 =	simm.s32 $0x16080;
	[dreg:$0x15] =	wrdreg s16  }
0x13: {  	s29 =	simm.s32 $0x16880;
	s30 =	simm.s32 $0x17080;
	[dreg:$0x16] =	wrdreg s17  }
0x14: {  	s31 =	simm.s32 $0x17880;
	s4 =	ssub.s32 $0x2, s4;
	[dreg:$0x17] =	wrdreg s18  }
0x15: {  	s19 =	sshrl.u32 s4, $0x1;
	s6 =	smul.u32 $0x1800, s3;
	[dreg:$0x18] =	wrdreg s20  }
0x16: {  	s7 =	sadd.s32 s3, s1;
	s3 =	smul.u32 $0x300, s3;
	[dreg:$0x19] =	wrdreg s21  }
0x17: {  	s7 =	sadd.s32 $0x4800, s7;
	[dreg:$0x1a] =	wrdreg s22;
	s24 =	simm.s32 $0xB880  }
0x18: {  	s25 =	simm.s32 $0xC880;
	s8 =	simm.s32 $0x80;
	s26 =	simm.s32 $0xD080  }
0x19: {  	s9 =	simm.s32 $0xC080;
	s11 =	simm.s32 $0xE080;
	s12 =	simm.s32 $0xE880  }
0x1a: {  	s13 =	simm.s32 $0xF080;
	s14 =	simm.s32 $0xF880;
	s15 =	simm.s32 $0x10080  }
0x1b: {  	s16 =	simm.s32 $0x10880;
	s17 =	simm.s32 $0x11080;
	s18 =	simm.s32 $0x11880  }
0x1c: {  	s20 =	simm.s32 $0x12880;
	s21 =	simm.s32 $0x13080;
	[dreg:$0x3] =	wrdreg s7  }
0x1d: {  	s22 =	simm.s32 $0x13880;
	s6 =	sshrl.u32 s6, $0x3;
	[dreg:$0x1c] =	wrdreg s24  }
0x1e: {  	s3 =	sadd.s32 s5, s3;
	s7 =	simm.s32 $0x3880;
	[dreg:$0x1d] =	wrdreg s25  }
0x1f: {  	[dreg:$0x1e] =	wrdreg s26;
	s24 =	simm.s32 $0x14880;
	s25 =	simm.s32 $0x15080  }
0x20: {  	s26 =	simm.s32 $0x15880;
	s5 =	sadd.s32 s5, s6;
	[dreg:$0x4] =	wrdreg s3  }
0x21: {  	s6 =	simm.s32 $0x3080;
	[dreg:$0xc] =	wrdreg s7;
	s3 =	sadd.s32 $0x75200, s1  }
0x22: {  	s7 =	simm.s32 $0x2;
	s23 =	sadd.s32 $0x1800, s5;
	[dreg:$0xb] =	wrdreg s6  }
0x23: {  	s5 =	simm.s32 $0x2880;
	s6 =	ssub.s32 s4, s19;
	[dreg:$0x5] =	wrdreg s23  }
0x24: {  	v2 =	vlaneseq.u32;
	s4 =	sadd.s32 $0x75300, s1;
	s19 =	simm.s32 $0x12080;
	[dreg:$0xa] =	wrdreg s5  }
0x25: {  	vm0 =	vmmov $0xffff;
	v1 =	vshrl.u32 v2, $0x3;
	s5 =	sadd.s32 $0x75400, s1;
	s23 =	simm.s32 $0xB080;
	s6 =	smax.u32 s6, $0x1  }
0x26: {  	v0 =	vand.u32 $0x7, v2;
	v2 =	vor.u32 $0x8, v2;
	v1 =	vmul.u32 $0x8, v1;
	s1 =	simm.s32 $0x1;
	[dreg:$0x1b] =	wrdreg s23;
	s23 =	simm.s32 $0x14080  }
.LBB2_1:
0x27: {  	s0 =	rddreg [dreg:$0x3]  }
0x28: {  	[tilespmem:s2], [sflag:$0x2] =	stream.linear.gather [hbm4b:s0+s2], $0x80, $0x38;
	[tilespmem:$0x18080] =	vst v63  }
0x29: {  	_ =	swait.ge [sflag:s7], $0x80  }
0x2a: {  	[sflag:s7] =	ssyncset.done $0x0  }
0x2b: {  	[sflag:s7] =	ssyncadd.s32 $0xFFFFFF80  }
0x2c: {  	v3 =	vld [tilespmem:$0x0];
	_ =	sdelay $0x4  }
0x2d: {  	v4 =	vshrl.u32 v3, $0x3  }
0x2e: {  	v4 =	vmul.u32 $0x30, v4  }
0x2f: {  	v3 =	vand.u32 $0x7, v3  }
0x30: {  	v3 =	vor.u32 v3, v4  }
0x31: {  	v4 =	vperm.xlane v3, v0;
	_ =	sdelay $0x1  }
0x32: {  	v4 =	vadd.s32 v1, v4;
	_ =	sdelay $0x3  }
0x33: {  	v3 =	vperm.xlane v3, v2  }
0x34: {  	[tilespmem:s8], [sflag:$0x1] =	stream.indirect_vreg.gather [hbm4b:s3+s2], $0x80, v4, vm0, $0xb8;
	[tilespmem:$0x18080] =	vst v63  }
0x35: {  	s0 =	rddreg [dreg:$0x6];
	v3 =	vadd.s32 v1, v3  }
0x36: {  	[tilespmem:s0], [sflag:$0x1] =	stream.indirect_vreg.gather [hbm4b:s4+s2], $0x80, v4, vm0, $0xb8;
	[tilespmem:$0x18080] =	vst v63  }
0x37: {  	s10 =	rddreg [dreg:$0x7]  }
0x38: {  	[tilespmem:s10], [sflag:$0x1] =	stream.indirect_vreg.gather [hbm4b:s5+s2], $0x80, v4, vm0, $0xb8;
	[tilespmem:$0x18080] =	vst v63  }
0x39: {  	s0 =	rddreg [dreg:$0x8]  }
0x3a: {  	[tilespmem:s0], [sflag:$0x1] =	stream.indirect_vreg.gather [hbm4b:s3+s2], $0x80, v3, vm0, $0xb8;
	[tilespmem:$0x18080] =	vst v63  }
0x3b: {  	s10 =	rddreg [dreg:$0x9]  }
0x3c: {  	[tilespmem:s10], [sflag:$0x1] =	stream.indirect_vreg.gather [hbm4b:s4+s2], $0x80, v3, vm0, $0xb8;
	[tilespmem:$0x18080] =	vst v63  }
0x3d: {  	s0 =	rddreg [dreg:$0xa]  }
0x3e: {  	[tilespmem:s0], [sflag:$0x1] =	stream.indirect_vreg.gather [hbm4b:s5+s2], $0x80, v3, vm0, $0xb8;
	[tilespmem:$0x18080] =	vst v63  }
0x3f: {  	v3 =	vld [tilespmem:$0x10];
	_ =	sdelay $0x4  }
0x40: {  	v57 =	vshrl.u32 v3, $0x3  }
0x41: {  	v4 =	vmul.u32 $0x30, v57  }
0x42: {  	v3 =	vand.u32 $0x7, v3  }
0x43: {  	v3 =	vor.u32 v3, v4  }
0x44: {  	v4 =	vperm.xlane v3, v0;
	_ =	sdelay $0x1  }
0x45: {  	v4 =	vadd.s32 v1, v4;
	_ =	sdelay $0x3  }
0x46: {  	s0 =	rddreg [dreg:$0xb];
	v3 =	vperm.xlane v3, v2  }
0x47: {  	[tilespmem:s0], [sflag:$0x1] =	stream.indirect_vreg.gather [hbm4b:s3+s2], $0x80, v4, vm0, $0xb8;
	[tilespmem:$0x18080] =	vst v63  }
0x48: {  	s10 =	rddreg [dreg:$0xc];
	v3 =	vadd.s32 v1, v3  }
0x49: {  	[tilespmem:s10], [sflag:$0x1] =	stream.indirect_vreg.gather [hbm4b:s4+s2], $0x80, v4, vm0, $0xb8;
	[tilespmem:$0x18080] =	vst v63  }
0x4a: {  	s0 =	rddreg [dreg:$0xd]  }
0x4b: {  	[tilespmem:s0], [sflag:$0x1] =	stream.indirect_vreg.gather [hbm4b:s5+s2], $0x80, v4, vm0, $0xb8;
	[tilespmem:$0x18080] =	vst v63  }
0x4c: {  	s10 =	rddreg [dreg:$0xe]  }
0x4d: {  	[tilespmem:s10], [sflag:$0x1] =	stream.indirect_vreg.gather [hbm4b:s3+s2], $0x80, v3, vm0, $0xb8;
	[tilespmem:$0x18080] =	vst v63  }
0x4e: {  	s0 =	rddreg [dreg:$0xf]  }
0x4f: {  	[tilespmem:s0], [sflag:$0x1] =	stream.indirect_vreg.gather [hbm4b:s4+s2], $0x80, v3, vm0, $0xb8;
	[tilespmem:$0x18080] =	vst v63  }
0x50: {  	s10 =	rddreg [dreg:$0x10]  }
0x51: {  	[tilespmem:s10], [sflag:$0x1] =	stream.indirect_vreg.gather [hbm4b:s5+s2], $0x80, v3, vm0, $0xb8;
	[tilespmem:$0x18080] =	vst v63  }
0x52: {  	v3 =	vld [tilespmem:$0x20];
	_ =	sdelay $0x4  }
0x53: {  	v58 =	vshrl.u32 v3, $0x3  }
0x54: {  	v4 =	vmul.u32 $0x30, v58  }
0x55: {  	v3 =	vand.u32 $0x7, v3  }
0x56: {  	v3 =	vor.u32 v3, v4  }
0x57: {  	v4 =	vperm.xlane v3, v0;
	_ =	sdelay $0x1  }
0x58: {  	v4 =	vadd.s32 v1, v4;
	_ =	sdelay $0x3  }
0x59: {  	s0 =	rddreg [dreg:$0x11];
	v3 =	vperm.xlane v3, v2  }
0x5a: {  	[tilespmem:s0], [sflag:$0x1] =	stream.indirect_vreg.gather [hbm4b:s3+s2], $0x80, v4, vm0, $0xb8;
	[tilespmem:$0x18080] =	vst v63  }
0x5b: {  	s10 =	rddreg [dreg:$0x12];
	v3 =	vadd.s32 v1, v3  }
0x5c: {  	[tilespmem:s10], [sflag:$0x1] =	stream.indirect_vreg.gather [hbm4b:s4+s2], $0x80, v4, vm0, $0xb8;
	[tilespmem:$0x18080] =	vst v63  }
0x5d: {  	s0 =	rddreg [dreg:$0x13]  }
0x5e: {  	[tilespmem:s0], [sflag:$0x1] =	stream.indirect_vreg.gather [hbm4b:s5+s2], $0x80, v4, vm0, $0xb8;
	[tilespmem:$0x18080] =	vst v63  }
0x5f: {  	s10 =	rddreg [dreg:$0x14]  }
0x60: {  	[tilespmem:s10], [sflag:$0x1] =	stream.indirect_vreg.gather [hbm4b:s3+s2], $0x80, v3, vm0, $0xb8;
	[tilespmem:$0x18080] =	vst v63  }
0x61: {  	s0 =	rddreg [dreg:$0x15]  }
0x62: {  	[tilespmem:s0], [sflag:$0x1] =	stream.indirect_vreg.gather [hbm4b:s4+s2], $0x80, v3, vm0, $0xb8;
	[tilespmem:$0x18080] =	vst v63  }
0x63: {  	s10 =	rddreg [dreg:$0x16]  }
0x64: {  	[tilespmem:s10], [sflag:$0x1] =	stream.indirect_vreg.gather [hbm4b:s5+s2], $0x80, v3, vm0, $0xb8;
	[tilespmem:$0x18080] =	vst v63  }
0x65: {  	v3 =	vld [tilespmem:$0x30];
	_ =	sdelay $0x4  }
0x66: {  	v59 =	vshrl.u32 v3, $0x3  }
0x67: {  	v4 =	vmul.u32 $0x30, v59  }
0x68: {  	v3 =	vand.u32 $0x7, v3  }
0x69: {  	v3 =	vor.u32 v3, v4  }
0x6a: {  	v4 =	vperm.xlane v3, v0;
	_ =	sdelay $0x1  }
0x6b: {  	v4 =	vadd.s32 v1, v4;
	_ =	sdelay $0x3  }
0x6c: {  	s0 =	rddreg [dreg:$0x17];
	v3 =	vperm.xlane v3, v2  }
0x6d: {  	[tilespmem:s0], [sflag:$0x1] =	stream.indirect_vreg.gather [hbm4b:s3+s2], $0x80, v4, vm0, $0xb8;
	[tilespmem:$0x18080] =	vst v63  }
0x6e: {  	s10 =	rddreg [dreg:$0x18];
	v3 =	vadd.s32 v1, v3  }
0x6f: {  	[tilespmem:s10], [sflag:$0x1] =	stream.indirect_vreg.gather [hbm4b:s4+s2], $0x80, v4, vm0, $0xb8;
	[tilespmem:$0x18080] =	vst v63  }
0x70: {  	s0 =	rddreg [dreg:$0x19]  }
0x71: {  	[tilespmem:s0], [sflag:$0x1] =	stream.indirect_vreg.gather [hbm4b:s5+s2], $0x80, v4, vm0, $0xb8;
	[tilespmem:$0x18080] =	vst v63  }
0x72: {  	s10 =	rddreg [dreg:$0x1a]  }
0x73: {  	[tilespmem:s10], [sflag:$0x1] =	stream.indirect_vreg.gather [hbm4b:s3+s2], $0x80, v3, vm0, $0xb8;
	[tilespmem:$0x18080] =	vst v63  }
0x74: {  	s0 =	rddreg [dreg:$0x1b]  }
0x75: {  	[tilespmem:s0], [sflag:$0x1] =	stream.indirect_vreg.gather [hbm4b:s4+s2], $0x80, v3, vm0, $0xb8;
	[tilespmem:$0x18080] =	vst v63  }
0x76: {  	s10 =	rddreg [dreg:$0x1c]  }
0x77: {  	[tilespmem:s10], [sflag:$0x1] =	stream.indirect_vreg.gather [hbm4b:s5+s2], $0x80, v3, vm0, $0xb8;
	[tilespmem:$0x18080] =	vst v63  }
0x78: {  	v3 =	vld [tilespmem:$0x40];
	_ =	sdelay $0x4  }
0x79: {  	v60 =	vshrl.u32 v3, $0x3  }
0x7a: {  	v4 =	vmul.u32 $0x30, v60  }
0x7b: {  	v3 =	vand.u32 $0x7, v3  }
0x7c: {  	v3 =	vor.u32 v3, v4  }
0x7d: {  	v4 =	vperm.xlane v3, v0;
	_ =	sdelay $0x1  }
0x7e: {  	v4 =	vadd.s32 v1, v4;
	_ =	sdelay $0x3  }
0x7f: {  	v3 =	vperm.xlane v3, v2  }
0x80: {  	[tilespmem:s9], [sflag:$0x1] =	stream.indirect_vreg.gather [hbm4b:s3+s2], $0x80, v4, vm0, $0xb8;
	[tilespmem:$0x18080] =	vst v63  }
0x81: {  	s0 =	rddreg [dreg:$0x1d];
	v3 =	vadd.s32 v1, v3  }
0x82: {  	[tilespmem:s0], [sflag:$0x1] =	stream.indirect_vreg.gather [hbm4b:s4+s2], $0x80, v4, vm0, $0xb8;
	[tilespmem:$0x18080] =	vst v63  }
0x83: {  	s10 =	rddreg [dreg:$0x1e]  }
0x84: {  	[tilespmem:s10], [sflag:$0x1] =	stream.indirect_vreg.gather [hbm4b:s5+s2], $0x80, v4, vm0, $0xb8;
	[tilespmem:$0x18080] =	vst v63  }
0x85: {  	s10 =	simm.s32 $0xD880  }
0x86: {  	[tilespmem:s10], [sflag:$0x1] =	stream.indirect_vreg.gather [hbm4b:s3+s2], $0x80, v3, vm0, $0xb8;
	[tilespmem:$0x18080] =	vst v63  }
0x87: {  	_ = 	snop  }
0x88: {  	[tilespmem:s11], [sflag:$0x1] =	stream.indirect_vreg.gather [hbm4b:s4+s2], $0x80, v3, vm0, $0xb8;
	[tilespmem:$0x18080] =	vst v63  }
0x89: {  	_ = 	snop  }
0x8a: {  	[tilespmem:s12], [sflag:$0x1] =	stream.indirect_vreg.gather [hbm4b:s5+s2], $0x80, v3, vm0, $0xb8;
	[tilespmem:$0x18080] =	vst v63  }
0x8b: {  	v3 =	vld [tilespmem:$0x50];
	_ =	sdelay $0x4  }
0x8c: {  	v61 =	vshrl.u32 v3, $0x3  }
0x8d: {  	v4 =	vmul.u32 $0x30, v61  }
0x8e: {  	v3 =	vand.u32 $0x7, v3  }
0x8f: {  	v3 =	vor.u32 v3, v4  }
0x90: {  	v4 =	vperm.xlane v3, v0;
	_ =	sdelay $0x1  }
0x91: {  	v4 =	vadd.s32 v1, v4;
	_ =	sdelay $0x3  }
0x92: {  	v3 =	vperm.xlane v3, v2  }
0x93: {  	[tilespmem:s13], [sflag:$0x1] =	stream.indirect_vreg.gather [hbm4b:s3+s2], $0x80, v4, vm0, $0xb8;
	[tilespmem:$0x18080] =	vst v63  }
0x94: {  	v3 =	vadd.s32 v1, v3  }
0x95: {  	[tilespmem:s14], [sflag:$0x1] =	stream.indirect_vreg.gather [hbm4b:s4+s2], $0x80, v4, vm0, $0xb8;
	[tilespmem:$0x18080] =	vst v63  }
0x96: {  	_ = 	snop  }
0x97: {  	[tilespmem:s15], [sflag:$0x1] =	stream.indirect_vreg.gather [hbm4b:s5+s2], $0x80, v4, vm0, $0xb8;
	[tilespmem:$0x18080] =	vst v63  }
0x98: {  	_ = 	snop  }
0x99: {  	[tilespmem:s16], [sflag:$0x1] =	stream.indirect_vreg.gather [hbm4b:s3+s2], $0x80, v3, vm0, $0xb8;
	[tilespmem:$0x18080] =	vst v63  }
0x9a: {  	_ = 	snop  }
0x9b: {  	[tilespmem:s17], [sflag:$0x1] =	stream.indirect_vreg.gather [hbm4b:s4+s2], $0x80, v3, vm0, $0xb8;
	[tilespmem:$0x18080] =	vst v63  }
0x9c: {  	_ = 	snop  }
0x9d: {  	[tilespmem:s18], [sflag:$0x1] =	stream.indirect_vreg.gather [hbm4b:s5+s2], $0x80, v3, vm0, $0xb8;
	[tilespmem:$0x18080] =	vst v63  }
0x9e: {  	v3 =	vld [tilespmem:$0x60];
	_ =	sdelay $0x4  }
0x9f: {  	v62 =	vshrl.u32 v3, $0x3  }
0xa0: {  	v4 =	vmul.u32 $0x30, v62  }
0xa1: {  	v3 =	vand.u32 $0x7, v3  }
0xa2: {  	v3 =	vor.u32 v3, v4  }
0xa3: {  	v4 =	vperm.xlane v3, v0;
	_ =	sdelay $0x1  }
0xa4: {  	v4 =	vadd.s32 v1, v4;
	_ =	sdelay $0x3  }
0xa5: {  	v3 =	vperm.xlane v3, v2  }
0xa6: {  	[tilespmem:s19], [sflag:$0x1] =	stream.indirect_vreg.gather [hbm4b:s3+s2], $0x80, v4, vm0, $0xb8;
	[tilespmem:$0x18080] =	vst v63  }
0xa7: {  	v3 =	vadd.s32 v1, v3  }
0xa8: {  	[tilespmem:s20], [sflag:$0x1] =	stream.indirect_vreg.gather [hbm4b:s4+s2], $0x80, v4, vm0, $0xb8;
	[tilespmem:$0x18080] =	vst v63  }
0xa9: {  	_ = 	snop  }
0xaa: {  	[tilespmem:s21], [sflag:$0x1] =	stream.indirect_vreg.gather [hbm4b:s5+s2], $0x80, v4, vm0, $0xb8;
	[tilespmem:$0x18080] =	vst v63  }
0xab: {  	_ = 	snop  }
0xac: {  	[tilespmem:s22], [sflag:$0x1] =	stream.indirect_vreg.gather [hbm4b:s3+s2], $0x80, v3, vm0, $0xb8;
	[tilespmem:$0x18080] =	vst v63  }
0xad: {  	_ = 	snop  }
0xae: {  	[tilespmem:s23], [sflag:$0x1] =	stream.indirect_vreg.gather [hbm4b:s4+s2], $0x80, v3, vm0, $0xb8;
	[tilespmem:$0x18080] =	vst v63  }
0xaf: {  	_ = 	snop  }
0xb0: {  	[tilespmem:s24], [sflag:$0x1] =	stream.indirect_vreg.gather [hbm4b:s5+s2], $0x80, v3, vm0, $0xb8;
	[tilespmem:$0x18080] =	vst v63  }
0xb1: {  	v3 =	vld [tilespmem:$0x70];
	_ =	sdelay $0x4  }
0xb2: {  	v63 =	vshrl.u32 v3, $0x3  }
0xb3: {  	v4 =	vmul.u32 $0x30, v63  }
0xb4: {  	v3 =	vand.u32 $0x7, v3  }
0xb5: {  	v3 =	vor.u32 v3, v4  }
0xb6: {  	v4 =	vperm.xlane v3, v0;
	_ =	sdelay $0x1  }
0xb7: {  	v4 =	vadd.s32 v1, v4;
	_ =	sdelay $0x3  }
0xb8: {  	v3 =	vperm.xlane v3, v2  }
0xb9: {  	[tilespmem:s25], [sflag:$0x1] =	stream.indirect_vreg.gather [hbm4b:s3+s2], $0x80, v4, vm0, $0xb8;
	[tilespmem:$0x18080] =	vst v63  }
0xba: {  	v3 =	vadd.s32 v1, v3  }
0xbb: {  	[tilespmem:s26], [sflag:$0x1] =	stream.indirect_vreg.gather [hbm4b:s4+s2], $0x80, v4, vm0, $0xb8;
	[tilespmem:$0x18080] =	vst v63  }
0xbc: {  	_ = 	snop  }
0xbd: {  	[tilespmem:s28], [sflag:$0x1] =	stream.indirect_vreg.gather [hbm4b:s5+s2], $0x80, v4, vm0, $0xb8;
	[tilespmem:$0x18080] =	vst v63  }
0xbe: {  	_ = 	snop  }
0xbf: {  	[tilespmem:s29], [sflag:$0x1] =	stream.indirect_vreg.gather [hbm4b:s3+s2], $0x80, v3, vm0, $0xb8;
	[tilespmem:$0x18080] =	vst v63  }
0xc0: {  	_ = 	snop  }
0xc1: {  	[tilespmem:s30], [sflag:$0x1] =	stream.indirect_vreg.gather [hbm4b:s4+s2], $0x80, v3, vm0, $0xb8;
	[tilespmem:$0x18080] =	vst v63  }
0xc2: {  	_ = 	snop  }
0xc3: {  	[tilespmem:s31], [sflag:$0x1] =	stream.indirect_vreg.gather [hbm4b:s5+s2], $0x80, v3, vm0, $0xb8;
	[tilespmem:$0x18080] =	vst v63  }
0xc4: {  	_ =	swait.ge [sflag:s1], $0xC000  }
0xc5: {  	[sflag:s1] =	ssyncset.done $0x0  }
0xc6: {  	s10 =	rddreg [dreg:$0x4];
	[sflag:s1] =	ssyncadd.s32 $0xFFFF4000  }
0xc7: {  	[hbm4b:s10+s2] =	stream.linear.scatter [tilespmem:s8], [sflag:$0x2], $0xC000, $0x38;
	[tilespmem:$0x18080] =	vst v63  }
0xc8: {  	_ =	swait.ge [sflag:s7], $0xC000  }
0xc9: {  	[sflag:s7] =	ssyncset.done $0x0  }
0xca: {  	[sflag:s7] =	ssyncadd.s32 $0xFFFF4000  }
0xcb: {  	_ =	swait.ge [sflag:s1], $0xC000  }
0xcc: {  	p0 =	sne.s32 s6, $0x1;
	[sflag:s1] =	ssyncset.done $0x0  }
.Ltmp0:
0xcd: {  	s10 =	rddreg [dreg:$0x5];
	[sflag:s1] =	ssyncadd.s32 $0xFFFF4000;
	(pc) =	sbr.rel @p0 .LBB2_1-.Ltmp0, $4  }
0xce: {  	[hbm4b:s10+s2] =	stream.linear.scatter [tilespmem:s9], [sflag:$0x2], $0xC000, $0x38;
	[tilespmem:$0x18080] =	vst v63  }
0xcf: {  	_ =	swait.ge [sflag:s7], $0xC000  }
0xd0: {  	[sflag:s7] =	ssyncset.done $0x0  }
0xd1: {  	s6 =	sadd.s32 $0xFFFFFFFF, s6;
	[sflag:s7] =	ssyncadd.s32 $0xFFFF4000  }
0xd2: {  	_ =	sfence.sel $0x180000  }
0xd3: {  	[bflag:$0x0] =	sbarrier.arrive $0xFFFF  }
0xd4: {  	_ =	strace $0x9000004A  }
0xd5: {  	s0 =	stileid.u32;
	[bflag:$0x2] =	sbarrier.arrive $0xFFFF  }
0xd6: {  	p0 =	sne.s32 s0, $0x0;
	s0 =	rddreg [dreg:$0x2]  }
0xd7: {  	s0 =	sadd.s32 @!p0 $0x100000, s0  }
0xd8: {  	[sflag:s0] =	ssyncadd.tile.s32 @!p0 $0x1;
	_ =	shalt  }
.Lfunc_end2:
_tile_overlayer_lowered:
.L_overlay_start_2:
0xd9: {  	(tag) =	ssettag $0x2  }
0xda: {  	s0 =	rddreg [dreg:$0x0];
	s2 =	stileid.u32  }
0xdb: {  	s1 =	rddreg [dreg:$0x1];
	p0 =	sne.s32 s2, $0x0  }
0xdc: {  	s3 =	rddreg [dreg:$0x2];
	[bflag:$0x3] =	sbarrier.arrive $0xFFFF;
	s2 =	simm.s32 @!p0 $0x1C02  }
0xdd: {  	[timem:s3], [sflag:s2] =	dma.local @!p0 [hbm:s0], s1  }
0xde: {  	s0 =	simm.s32 @!p0 $0x2  }
0xdf: {  	_ =	swait.ge @!p0 [sflag:s0], s1  }
0xe0: {  	s1 =	ssub.s32 @!p0 $0x0, s1;
	[sflag:s0] =	ssyncset.done @!p0 $0x0  }
0xe1: {  	[sflag:s0] =	ssyncadd.s32 @!p0 s1  }
0xe2: {  	[bflag:$0x3] =	sbarrier.arrive $0xFFFF  }
0xe3: {  	_ =	shalt  }

</sc_bundles>
